<compile_context>
chip_gen: v7x
topology: tpu7x:2x2x1
jax: 0.10.2.dev20260603
libtpu: 0.0.44.dev20260713+nightly
codegen_flags: <defaults>
</compile_context>

<pallas_src>
import functools

import jax
import jax.numpy as jnp
from jax import lax
from jax.experimental import pallas as pl
from jax.experimental.pallas import tpu as pltpu
from jax.experimental.pallas import tpu_sc as plsc


def _make_sc_scatter(S, E):
    info = plsc.get_sparse_core_info()
    NC, NS = 1, info.num_subcores
    NW = NC * NS
    epw = E // NW
    zpw = (S * S) // NS
    mesh = plsc.VectorSubcoreMesh(core_axis_name="c", subcore_axis_name="s",
                                  num_cores=NC)

    @functools.partial(
        pl.kernel, mesh=mesh,
        out_type=jax.ShapeDtypeStruct((NC * S * S,), jnp.float32),
        scratch_types=[
            pltpu.VMEM((epw,), jnp.int32),
            pltpu.VMEM((epw,), jnp.int32),
            pltpu.VMEM((epw,), jnp.int32),
            pltpu.VMEM((epw,), jnp.float32),
            pltpu.VMEM_SHARED((S * S,), jnp.float32),
            pltpu.SemaphoreType.DMA,
        ],
    )
    def sc_scatter(src_hbm, dst_hbm, ones_hbm, zeros_hbm, out_hbm,
                   dst_v, src_v, fidx_v, ones_v, acc, sem):
        cid = lax.axis_index("c")
        sid = lax.axis_index("s")
        wid = sid * NC + cid
        base = wid * epw
        c0 = pltpu.async_copy(zeros_hbm.at[pl.ds(sid * zpw, zpw)],
                              acc.at[pl.ds(sid * zpw, zpw)], sem)
        c1 = pltpu.async_copy(dst_hbm.at[pl.ds(base, epw)], dst_v, sem)
        c2 = pltpu.async_copy(src_hbm.at[pl.ds(base, epw)], src_v, sem)
        c3 = pltpu.async_copy(ones_hbm.at[pl.ds(base, epw)], ones_v, sem)
        c0.wait()
        c1.wait()
        c2.wait()
        c3.wait()
        for j in range(epw // 16):
            sl = pl.ds(j * 16, 16)
            fidx_v[sl] = dst_v[sl] * S + src_v[sl]
        plsc.subcore_barrier()
        pltpu.sync_copy(ones_v, acc.at[fidx_v], add=True)
        plsc.subcore_barrier()
        pltpu.sync_copy(acc.at[pl.ds(sid * zpw, zpw)],
                        out_hbm.at[pl.ds(cid * S * S + sid * zpw, zpw)])

    return sc_scatter


def _sum_counts(c_ref):
    counts = c_ref[0]
    for c in range(1, c_ref.shape[0]):
        counts = counts + c_ref[c]
    return counts


def _stage1_body(c_ref, x_ref, w1s_ref, w1n_ref, b1_ref, out_ref,
                 mask_scr, m1_scr):
    Ti = out_ref.shape[0]
    S = mask_scr.shape[0]

    @pl.when(pl.program_id(0) == 0)
    def _():
        A = (_sum_counts(c_ref) > 0.5).astype(jnp.float32)
        row_ids = jax.lax.broadcasted_iota(jnp.int32, (S, 1), 0)
        col_ids = jax.lax.broadcasted_iota(jnp.int32, (1, S), 1)
        eye = (row_ids == col_ids).astype(jnp.float32)
        mask = jnp.minimum(A + eye, 1.0)
        mask_scr[...] = mask.astype(jnp.bfloat16)
        m1_scr[...] = jnp.dot(
            A.astype(jnp.bfloat16), mask.astype(jnp.bfloat16),
            preferred_element_type=jnp.float32).astype(jnp.bfloat16)

    x = x_ref[...].astype(jnp.bfloat16)
    w1s = w1s_ref[...].astype(jnp.bfloat16)
    w1n = w1n_ref[...].astype(jnp.bfloat16)
    b1 = b1_ref[...]
    base = pl.program_id(0) * Ti
    mrows = mask_scr[pl.ds(base, Ti), :]
    nrows = m1_scr[pl.ds(base, Ti), :]
    t1 = (mrows[:, :, None] * w1s[None, :, :]
          + nrows[:, :, None] * w1n[None, :, :])
    for i in range(Ti):
        h = jnp.dot(x, t1[i], preferred_element_type=jnp.float32) + b1
        out_ref[i] = jax.nn.relu(h).astype(out_ref.dtype)


def _stage2_body(h1_ref, c_ref, w2s_ref, w2n_ref, b2_ref, wr_ref,
                 bout_ref, out_ref):
    S, Bt, H = h1_ref.shape
    h3 = h1_ref[...]
    h2 = h3.reshape(S, Bt * H)
    A = (_sum_counts(c_ref) > 0.5).astype(jnp.bfloat16)
    agg = jnp.dot(A, h2,
                  preferred_element_type=jnp.float32)
    hr = h3.reshape(S * Bt, H)
    ar = agg.astype(jnp.bfloat16).reshape(S * Bt, H)
    ha = jnp.concatenate([hr, ar], axis=1)
    w2 = jnp.concatenate([w2s_ref[...].astype(jnp.bfloat16),
                          w2n_ref[...].astype(jnp.bfloat16)], axis=0)
    z = jax.nn.relu(
        jnp.dot(ha, w2, preferred_element_type=jnp.float32)
        + b2_ref[...])
    z3 = z.reshape(S, Bt, H)
    y = jnp.sum(z3 * wr_ref[...][:, None, :], axis=(0, 2))
    out_ref[...] = y.reshape(Bt, 1) + bout_ref[0, 0]


def kernel(state, action, edge_index, W1_self, W1_neigh, b1,
           W2_self, W2_neigh, b2, W_out, b_out):
    B = state.shape[0]
    S, H = W1_self.shape
    x = jnp.concatenate([state, action], axis=1)
    E = edge_index.shape[1]

    counts_flat = _make_sc_scatter(S, E)(
        edge_index[0], edge_index[1],
        jnp.ones((E,), jnp.float32), jnp.zeros((S * S,), jnp.float32))
    counts = counts_flat.reshape(-1, S, S)
    NCc = counts.shape[0]

    Ti = 16
    full = lambda shape: pl.BlockSpec(shape, lambda i: (0,) * len(shape))
    h1 = pl.pallas_call(
        _stage1_body,
        grid=(S // Ti,),
        in_specs=[
            full((NCc, S, S)),
            full((B, S)),
            full((S, H)), full((S, H)), full((1, H)),
        ],
        out_specs=pl.BlockSpec((Ti, B, H), lambda i: (i, 0, 0)),
        out_shape=jax.ShapeDtypeStruct((S, B, H), jnp.bfloat16),
        scratch_shapes=[pltpu.VMEM((S, S), jnp.bfloat16),
                        pltpu.VMEM((S, S), jnp.bfloat16)],
    )(counts, x, W1_self, W1_neigh, b1.reshape(1, H))

    Bt = 64
    y = pl.pallas_call(
        _stage2_body,
        grid=(B // Bt,),
        in_specs=[
            pl.BlockSpec((S, Bt, H), lambda j: (0, j, 0)),
            full((NCc, S, S)),
            full((H, H)), full((H, H)), full((1, H)),
            full((S, H)), full((1, 1)),
        ],
        out_specs=pl.BlockSpec((Bt, 1), lambda j: (j, 0)),
        out_shape=jax.ShapeDtypeStruct((B, 1), jnp.float32),
    )(h1, counts, W2_self, W2_neigh, b2.reshape(1, H), W_out.reshape(S, H),
      b_out.reshape(1, 1))
    return y

# --- scband reference (transcript-rebuilt; emitter-appended) ---
"""Pipeline reference for scband-model-22127671509779 (READ-ONLY COPY).

The authoritative reference and input builder live on the scoring server;
editing this copy changes nothing except your own understanding.
"""

import jax, jax.numpy as jnp
import numpy as np


def setup_inputs(seed: int = 0) -> dict:
    key = jax.random.key(seed)
    ks = jax.random.split(key, 10)
    B, Sdim, Adim, H, E = 512, 192, 64, 256, 4096
    S = Sdim + Adim
    state = jax.random.normal(ks[0], (B, Sdim), dtype=jnp.float32)
    action = jax.random.normal(ks[1], (B, Adim), dtype=jnp.float32)
    edge_index = jax.random.randint(ks[2], (2, E), 0, S, dtype=jnp.int32)
    W1_self = jax.random.normal(ks[3], (S, H), dtype=jnp.float32) / np.sqrt(S)
    W1_neigh = jax.random.normal(ks[4], (S, H), dtype=jnp.float32) / np.sqrt(S)
    b1 = jnp.zeros((H,), dtype=jnp.float32)
    W2_self = jax.random.normal(ks[5], (H, H), dtype=jnp.float32) / np.sqrt(H)
    W2_neigh = jax.random.normal(ks[6], (H, H), dtype=jnp.float32) / np.sqrt(H)
    b2 = jnp.zeros((H,), dtype=jnp.float32)
    W_out = jax.random.uniform(ks[7], (S * H, 1), dtype=jnp.float32, minval=-0.003, maxval=0.003)
    b_out = jnp.zeros((1,), dtype=jnp.float32)
    return {"state": state, "action": action, "edge_index": edge_index,
            "W1_self": W1_self, "W1_neigh": W1_neigh, "b1": b1,
            "W2_self": W2_self, "W2_neigh": W2_neigh, "b2": b2,
            "W_out": W_out, "b_out": b_out}


def reference(state, action, edge_index, W1_self, W1_neigh, b1, W2_self, W2_neigh, b2, W_out, b_out):
    S = W1_self.shape[0]
    x = jnp.concatenate([state, action], axis=1)  # (B, S)
    src = edge_index[0]
    dst = edge_index[1]
    # DynamicGraphState.eval_torch: build adjacency via scatter-add from edge_index,
    # mask the state per node (each node sees state restricted to its neighborhood + self)
    A = jnp.zeros((S, S), dtype=x.dtype).at[dst, src].add(1.0)
    A = jnp.minimum(A, 1.0)
    mask = jnp.minimum(A + jnp.eye(S, dtype=x.dtype), 1.0)
    h = x[:, None, :] * mask[None, :, :]  # (B, S, S) state_masked
    # GConvSeq([size, hidden, hidden]): two graph-conv layers (self + neighbor agg)
    agg1 = jnp.einsum('ij,bjd->bid', A, h)
    h = jax.nn.relu(jnp.einsum('bnd,dh->bnh', h, W1_self) + jnp.einsum('bnd,dh->bnh', agg1, W1_neigh) + b1)
    agg2 = jnp.einsum('ij,bjh->bih', A, h)
    h = jax.nn.relu(jnp.einsum('bnh,hk->bnk', h, W2_self) + jnp.einsum('bnh,hk->bnk', agg2, W2_neigh) + b2)
    # flatten (B, S*H) and final linear -> (B, 1)
    y = h.reshape(h.shape[0], -1) @ W_out + b_out
    return y

if __name__ == "__main__":
    import jax
    _d = setup_inputs()
    print(jax.jit(kernel)(*tuple(_d.values())))

</pallas_src>

<mosaic_0001>
#map = affine_map<(d0, d1) -> (0)>
module attributes {stable_mosaic.version = 14 : i64} {
  func.func @sc_scatter(%arg0: i32, %arg1: i32, %arg2: memref<4096xi32, #tpu.memory_space<hbm>>, %arg3: memref<4096xi32, #tpu.memory_space<hbm>>, %arg4: memref<4096xf32, #tpu.memory_space<hbm>>, %arg5: memref<65536xf32, #tpu.memory_space<hbm>>, %arg6: memref<65536xf32, #tpu.memory_space<hbm>>, %arg7: memref<256xi32, #tpu.memory_space<vmem>>, %arg8: memref<256xi32, #tpu.memory_space<vmem>>, %arg9: memref<256xi32, #tpu.memory_space<vmem>>, %arg10: memref<256xf32, #tpu.memory_space<vmem>>, %arg11: memref<65536xf32, #tpu.memory_space<vmem_shared>>, %arg12: memref<!tpu.dma_semaphore, #tpu.memory_space<semaphore_mem>>) attributes {dimension_semantics = [#tpu.dimension_semantics<core_parallel>, #tpu.dimension_semantics<subcore_parallel>], iteration_bounds = array<i64: 1, 16>, scalar_prefetch = 0 : i64, scratch_operands = 6 : i64, tpu.core_type = #tpu.core_type<sc_vector_subcore>, window_params = [{transform_indices = #map}, {transform_indices = #map}, {transform_indices = #map}, {transform_indices = #map}, {transform_indices = #map}]} {
    %mul3A = arith.constant 1 : i32
    %mul3A_0 = arith.muli %arg1, %mul3A : i32
    %add3A = arith.addi %mul3A_0, %arg0 : i32
    %mul3A_1 = arith.constant 256 : i32
    %mul3A_2 = arith.muli %add3A, %mul3A_1 : i32
    %mul3A_3 = arith.constant 4096 : i32
    %mul3A_4 = arith.muli %arg1, %mul3A_3 : i32
    %mul3A_5 = arith.constant 4096 : i32
    %mul3A_6 = arith.muli %arg1, %mul3A_5 : i32
    %dma_start3A = tpu.memref_slice %arg11[%mul3A_6] : memref<65536xf32, #tpu.memory_space<vmem_shared>> -> memref<4096xf32, #tpu.memory_space<vmem_shared>>
    %dma_start3A_7 = tpu.memref_slice %arg5[%mul3A_4] : memref<65536xf32, #tpu.memory_space<hbm>> -> memref<4096xf32, #tpu.memory_space<hbm>>
    tpu.enqueue_dma source(%dma_start3A_7 : memref<4096xf32, #tpu.memory_space<hbm>>) target(%dma_start3A : memref<4096xf32, #tpu.memory_space<vmem_shared>>) target_semaphore(%arg12 : memref<!tpu.dma_semaphore, #tpu.memory_space<semaphore_mem>>)
    %dma_start3A_8 = tpu.memref_slice %arg3[%mul3A_2] : memref<4096xi32, #tpu.memory_space<hbm>> -> memref<256xi32, #tpu.memory_space<hbm>>
    %dma_start3A_9 = tpu.memref_slice %arg3[%mul3A_2] : memref<4096xi32, #tpu.memory_space<hbm>> -> memref<256xi32, #tpu.memory_space<hbm>>
    tpu.enqueue_dma source(%dma_start3A_9 : memref<256xi32, #tpu.memory_space<hbm>>) target(%arg7 : memref<256xi32, #tpu.memory_space<vmem>>) target_semaphore(%arg12 : memref<!tpu.dma_semaphore, #tpu.memory_space<semaphore_mem>>)
    %dma_start3A_10 = tpu.memref_slice %arg2[%mul3A_2] : memref<4096xi32, #tpu.memory_space<hbm>> -> memref<256xi32, #tpu.memory_space<hbm>>
    %dma_start3A_11 = tpu.memref_slice %arg2[%mul3A_2] : memref<4096xi32, #tpu.memory_space<hbm>> -> memref<256xi32, #tpu.memory_space<hbm>>
    tpu.enqueue_dma source(%dma_start3A_11 : memref<256xi32, #tpu.memory_space<hbm>>) target(%arg8 : memref<256xi32, #tpu.memory_space<vmem>>) target_semaphore(%arg12 : memref<!tpu.dma_semaphore, #tpu.memory_space<semaphore_mem>>)
    %dma_start3A_12 = tpu.memref_slice %arg4[%mul3A_2] : memref<4096xf32, #tpu.memory_space<hbm>> -> memref<256xf32, #tpu.memory_space<hbm>>
    %dma_start3A_13 = tpu.memref_slice %arg4[%mul3A_2] : memref<4096xf32, #tpu.memory_space<hbm>> -> memref<256xf32, #tpu.memory_space<hbm>>
    tpu.enqueue_dma source(%dma_start3A_13 : memref<256xf32, #tpu.memory_space<hbm>>) target(%arg10 : memref<256xf32, #tpu.memory_space<vmem>>) target_semaphore(%arg12 : memref<!tpu.dma_semaphore, #tpu.memory_space<semaphore_mem>>)
    %dma_wait3A = tpu.memref_slice %arg11[%mul3A_6] : memref<65536xf32, #tpu.memory_space<vmem_shared>> -> memref<4096xf32, #tpu.memory_space<vmem_shared>>
    %dma_wait3A_14 = tpu.memref_slice %arg5[%mul3A_4] : memref<65536xf32, #tpu.memory_space<hbm>> -> memref<4096xf32, #tpu.memory_space<hbm>>
    tpu.wait_dma2 semaphore(%arg12 : memref<!tpu.dma_semaphore, #tpu.memory_space<semaphore_mem>>) src(%dma_wait3A_14 : memref<4096xf32, #tpu.memory_space<hbm>>) dst(%dma_wait3A : memref<4096xf32, #tpu.memory_space<vmem_shared>>)
    %dma_wait3A_15 = tpu.memref_slice %arg3[%mul3A_2] : memref<4096xi32, #tpu.memory_space<hbm>> -> memref<256xi32, #tpu.memory_space<hbm>>
    %dma_wait3A_16 = tpu.memref_slice %arg3[%mul3A_2] : memref<4096xi32, #tpu.memory_space<hbm>> -> memref<256xi32, #tpu.memory_space<hbm>>
    tpu.wait_dma2 semaphore(%arg12 : memref<!tpu.dma_semaphore, #tpu.memory_space<semaphore_mem>>) src(%dma_wait3A_16 : memref<256xi32, #tpu.memory_space<hbm>>) dst(%arg7 : memref<256xi32, #tpu.memory_space<vmem>>)
    %dma_wait3A_17 = tpu.memref_slice %arg2[%mul3A_2] : memref<4096xi32, #tpu.memory_space<hbm>> -> memref<256xi32, #tpu.memory_space<hbm>>
    %dma_wait3A_18 = tpu.memref_slice %arg2[%mul3A_2] : memref<4096xi32, #tpu.memory_space<hbm>> -> memref<256xi32, #tpu.memory_space<hbm>>
    tpu.wait_dma2 semaphore(%arg12 : memref<!tpu.dma_semaphore, #tpu.memory_space<semaphore_mem>>) src(%dma_wait3A_18 : memref<256xi32, #tpu.memory_space<hbm>>) dst(%arg8 : memref<256xi32, #tpu.memory_space<vmem>>)
    %dma_wait3A_19 = tpu.memref_slice %arg4[%mul3A_2] : memref<4096xf32, #tpu.memory_space<hbm>> -> memref<256xf32, #tpu.memory_space<hbm>>
    %dma_wait3A_20 = tpu.memref_slice %arg4[%mul3A_2] : memref<4096xf32, #tpu.memory_space<hbm>> -> memref<256xf32, #tpu.memory_space<hbm>>
    tpu.wait_dma2 semaphore(%arg12 : memref<!tpu.dma_semaphore, #tpu.memory_space<semaphore_mem>>) src(%dma_wait3A_20 : memref<256xf32, #tpu.memory_space<hbm>>) dst(%arg10 : memref<256xf32, #tpu.memory_space<vmem>>)
    %get3A = arith.constant 0 : index
    %get3A_21 = tpu.vector_load %arg7[%get3A] {strides = array<i32>} : memref<256xi32, #tpu.memory_space<vmem>>, vector<16xi32>,
    %get3A_22 = vector.shape_cast %get3A_21 : vector<16xi32> to vector<16xi32>
    %mul3A_23 = arith.constant 256 : i32
    %mul3A_24 = vector.broadcast %mul3A_23 : i32 to vector<16xi32>
    %mul3A_25 = arith.muli %get3A_22, %mul3A_24 : vector<16xi32>
    %get3A_26 = arith.constant 0 : index
    %get3A_27 = tpu.vector_load %arg8[%get3A_26] {strides = array<i32>} : memref<256xi32, #tpu.memory_space<vmem>>, vector<16xi32>,
    %get3A_28 = vector.shape_cast %get3A_27 : vector<16xi32> to vector<16xi32>
    %add3A_29 = arith.addi %mul3A_25, %get3A_28 : vector<16xi32>
    %swap3A = arith.constant 0 : index
    %swap3A_30 = tpu.vector_load %arg9[%swap3A] {strides = array<i32>} : memref<256xi32, #tpu.memory_space<vmem>>, vector<16xi32>,
    %swap3A_31 = vector.shape_cast %swap3A_30 : vector<16xi32> to vector<16xi32>
    %swap3A_32 = vector.shape_cast %add3A_29 : vector<16xi32> to vector<16xi32>
    tpu.vector_store %arg9[%swap3A], %swap3A_32 {strides = array<i32>} : memref<256xi32, #tpu.memory_space<vmem>>, vector<16xi32>,
    %get3A_33 = arith.constant 16 : index
    %get3A_34 = tpu.vector_load %arg7[%get3A_33] {strides = array<i32>} : memref<256xi32, #tpu.memory_space<vmem>>, vector<16xi32>,
    %get3A_35 = vector.shape_cast %get3A_34 : vector<16xi32> to vector<16xi32>
    %mul3A_36 = arith.constant 256 : i32
    %mul3A_37 = vector.broadcast %mul3A_36 : i32 to vector<16xi32>
    %mul3A_38 = arith.muli %get3A_35, %mul3A_37 : vector<16xi32>
    %get3A_39 = arith.constant 16 : index
    %get3A_40 = tpu.vector_load %arg8[%get3A_39] {strides = array<i32>} : memref<256xi32, #tpu.memory_space<vmem>>, vector<16xi32>,
    %get3A_41 = vector.shape_cast %get3A_40 : vector<16xi32> to vector<16xi32>
    %add3A_42 = arith.addi %mul3A_38, %get3A_41 : vector<16xi32>
    %swap3A_43 = arith.constant 16 : index
    %swap3A_44 = tpu.vector_load %arg9[%swap3A_43] {strides = array<i32>} : memref<256xi32, #tpu.memory_space<vmem>>, vector<16xi32>,
    %swap3A_45 = vector.shape_cast %swap3A_44 : vector<16xi32> to vector<16xi32>
    %swap3A_46 = vector.shape_cast %add3A_42 : vector<16xi32> to vector<16xi32>
    tpu.vector_store %arg9[%swap3A_43], %swap3A_46 {strides = array<i32>} : memref<256xi32, #tpu.memory_space<vmem>>, vector<16xi32>,
    %get3A_47 = arith.constant 32 : index
    %get3A_48 = tpu.vector_load %arg7[%get3A_47] {strides = array<i32>} : memref<256xi32, #tpu.memory_space<vmem>>, vector<16xi32>,
    %get3A_49 = vector.shape_cast %get3A_48 : vector<16xi32> to vector<16xi32>
    %mul3A_50 = arith.constant 256 : i32
    %mul3A_51 = vector.broadcast %mul3A_50 : i32 to vector<16xi32>
    %mul3A_52 = arith.muli %get3A_49, %mul3A_51 : vector<16xi32>
    %get3A_53 = arith.constant 32 : index
    %get3A_54 = tpu.vector_load %arg8[%get3A_53] {strides = array<i32>} : memref<256xi32, #tpu.memory_space<vmem>>, vector<16xi32>,
    %get3A_55 = vector.shape_cast %get3A_54 : vector<16xi32> to vector<16xi32>
    %add3A_56 = arith.addi %mul3A_52, %get3A_55 : vector<16xi32>
    %swap3A_57 = arith.constant 32 : index
    %swap3A_58 = tpu.vector_load %arg9[%swap3A_57] {strides = array<i32>} : memref<256xi32, #tpu.memory_space<vmem>>, vector<16xi32>,
    %swap3A_59 = vector.shape_cast %swap3A_58 : vector<16xi32> to vector<16xi32>
    %swap3A_60 = vector.shape_cast %add3A_56 : vector<16xi32> to vector<16xi32>
    tpu.vector_store %arg9[%swap3A_57], %swap3A_60 {strides = array<i32>} : memref<256xi32, #tpu.memory_space<vmem>>, vector<16xi32>,
    %get3A_61 = arith.constant 48 : index
    %get3A_62 = tpu.vector_load %arg7[%get3A_61] {strides = array<i32>} : memref<256xi32, #tpu.memory_space<vmem>>, vector<16xi32>,
    %get3A_63 = vector.shape_cast %get3A_62 : vector<16xi32> to vector<16xi32>
    %mul3A_64 = arith.constant 256 : i32
    %mul3A_65 = vector.broadcast %mul3A_64 : i32 to vector<16xi32>
    %mul3A_66 = arith.muli %get3A_63, %mul3A_65 : vector<16xi32>
    %get3A_67 = arith.constant 48 : index
    %get3A_68 = tpu.vector_load %arg8[%get3A_67] {strides = array<i32>} : memref<256xi32, #tpu.memory_space<vmem>>, vector<16xi32>,
    %get3A_69 = vector.shape_cast %get3A_68 : vector<16xi32> to vector<16xi32>
    %add3A_70 = arith.addi %mul3A_66, %get3A_69 : vector<16xi32>
    %swap3A_71 = arith.constant 48 : index
    %swap3A_72 = tpu.vector_load %arg9[%swap3A_71] {strides = array<i32>} : memref<256xi32, #tpu.memory_space<vmem>>, vector<16xi32>,
    %swap3A_73 = vector.shape_cast %swap3A_72 : vector<16xi32> to vector<16xi32>
    %swap3A_74 = vector.shape_cast %add3A_70 : vector<16xi32> to vector<16xi32>
    tpu.vector_store %arg9[%swap3A_71], %swap3A_74 {strides = array<i32>} : memref<256xi32, #tpu.memory_space<vmem>>, vector<16xi32>,
    %get3A_75 = arith.constant 64 : index
    %get3A_76 = tpu.vector_load %arg7[%get3A_75] {strides = array<i32>} : memref<256xi32, #tpu.memory_space<vmem>>, vector<16xi32>,
    %get3A_77 = vector.shape_cast %get3A_76 : vector<16xi32> to vector<16xi32>
    %mul3A_78 = arith.constant 256 : i32
    %mul3A_79 = vector.broadcast %mul3A_78 : i32 to vector<16xi32>
    %mul3A_80 = arith.muli %get3A_77, %mul3A_79 : vector<16xi32>
    %get3A_81 = arith.constant 64 : index
    %get3A_82 = tpu.vector_load %arg8[%get3A_81] {strides = array<i32>} : memref<256xi32, #tpu.memory_space<vmem>>, vector<16xi32>,
    %get3A_83 = vector.shape_cast %get3A_82 : vector<16xi32> to vector<16xi32>
    %add3A_84 = arith.addi %mul3A_80, %get3A_83 : vector<16xi32>
    %swap3A_85 = arith.constant 64 : index
    %swap3A_86 = tpu.vector_load %arg9[%swap3A_85] {strides = array<i32>} : memref<256xi32, #tpu.memory_space<vmem>>, vector<16xi32>,
    %swap3A_87 = vector.shape_cast %swap3A_86 : vector<16xi32> to vector<16xi32>
    %swap3A_88 = vector.shape_cast %add3A_84 : vector<16xi32> to vector<16xi32>
    tpu.vector_store %arg9[%swap3A_85], %swap3A_88 {strides = array<i32>} : memref<256xi32, #tpu.memory_space<vmem>>, vector<16xi32>,
    %get3A_89 = arith.constant 80 : index
    %get3A_90 = tpu.vector_load %arg7[%get3A_89] {strides = array<i32>} : memref<256xi32, #tpu.memory_space<vmem>>, vector<16xi32>,
    %get3A_91 = vector.shape_cast %get3A_90 : vector<16xi32> to vector<16xi32>
    %mul3A_92 = arith.constant 256 : i32
    %mul3A_93 = vector.broadcast %mul3A_92 : i32 to vector<16xi32>
    %mul3A_94 = arith.muli %get3A_91, %mul3A_93 : vector<16xi32>
    %get3A_95 = arith.constant 80 : index
    %get3A_96 = tpu.vector_load %arg8[%get3A_95] {strides = array<i32>} : memref<256xi32, #tpu.memory_space<vmem>>, vector<16xi32>,
    %get3A_97 = vector.shape_cast %get3A_96 : vector<16xi32> to vector<16xi32>
    %add3A_98 = arith.addi %mul3A_94, %get3A_97 : vector<16xi32>
    %swap3A_99 = arith.constant 80 : index
    %swap3A_100 = tpu.vector_load %arg9[%swap3A_99] {strides = array<i32>} : memref<256xi32, #tpu.memory_space<vmem>>, vector<16xi32>,
    %swap3A_101 = vector.shape_cast %swap3A_100 : vector<16xi32> to vector<16xi32>
    %swap3A_102 = vector.shape_cast %add3A_98 : vector<16xi32> to vector<16xi32>
    tpu.vector_store %arg9[%swap3A_99], %swap3A_102 {strides = array<i32>} : memref<256xi32, #tpu.memory_space<vmem>>, vector<16xi32>,
    %get3A_103 = arith.constant 96 : index
    %get3A_104 = tpu.vector_load %arg7[%get3A_103] {strides = array<i32>} : memref<256xi32, #tpu.memory_space<vmem>>, vector<16xi32>,
    %get3A_105 = vector.shape_cast %get3A_104 : vector<16xi32> to vector<16xi32>
    %mul3A_106 = arith.constant 256 : i32
    %mul3A_107 = vector.broadcast %mul3A_106 : i32 to vector<16xi32>
    %mul3A_108 = arith.muli %get3A_105, %mul3A_107 : vector<16xi32>
    %get3A_109 = arith.constant 96 : index
    %get3A_110 = tpu.vector_load %arg8[%get3A_109] {strides = array<i32>} : memref<256xi32, #tpu.memory_space<vmem>>, vector<16xi32>,
    %get3A_111 = vector.shape_cast %get3A_110 : vector<16xi32> to vector<16xi32>
    %add3A_112 = arith.addi %mul3A_108, %get3A_111 : vector<16xi32>
    %swap3A_113 = arith.constant 96 : index
    %swap3A_114 = tpu.vector_load %arg9[%swap3A_113] {strides = array<i32>} : memref<256xi32, #tpu.memory_space<vmem>>, vector<16xi32>,
    %swap3A_115 = vector.shape_cast %swap3A_114 : vector<16xi32> to vector<16xi32>
    %swap3A_116 = vector.shape_cast %add3A_112 : vector<16xi32> to vector<16xi32>
    tpu.vector_store %arg9[%swap3A_113], %swap3A_116 {strides = array<i32>} : memref<256xi32, #tpu.memory_space<vmem>>, vector<16xi32>,
    %get3A_117 = arith.constant 112 : index
    %get3A_118 = tpu.vector_load %arg7[%get3A_117] {strides = array<i32>} : memref<256xi32, #tpu.memory_space<vmem>>, vector<16xi32>,
    %get3A_119 = vector.shape_cast %get3A_118 : vector<16xi32> to vector<16xi32>
    %mul3A_120 = arith.constant 256 : i32
    %mul3A_121 = vector.broadcast %mul3A_120 : i32 to vector<16xi32>
    %mul3A_122 = arith.muli %get3A_119, %mul3A_121 : vector<16xi32>
    %get3A_123 = arith.constant 112 : index
    %get3A_124 = tpu.vector_load %arg8[%get3A_123] {strides = array<i32>} : memref<256xi32, #tpu.memory_space<vmem>>, vector<16xi32>,
    %get3A_125 = vector.shape_cast %get3A_124 : vector<16xi32> to vector<16xi32>
    %add3A_126 = arith.addi %mul3A_122, %get3A_125 : vector<16xi32>
    %swap3A_127 = arith.constant 112 : index
    %swap3A_128 = tpu.vector_load %arg9[%swap3A_127] {strides = array<i32>} : memref<256xi32, #tpu.memory_space<vmem>>, vector<16xi32>,
    %swap3A_129 = vector.shape_cast %swap3A_128 : vector<16xi32> to vector<16xi32>
    %swap3A_130 = vector.shape_cast %add3A_126 : vector<16xi32> to vector<16xi32>
    tpu.vector_store %arg9[%swap3A_127], %swap3A_130 {strides = array<i32>} : memref<256xi32, #tpu.memory_space<vmem>>, vector<16xi32>,
    %get3A_131 = arith.constant 128 : index
    %get3A_132 = tpu.vector_load %arg7[%get3A_131] {strides = array<i32>} : memref<256xi32, #tpu.memory_space<vmem>>, vector<16xi32>,
    %get3A_133 = vector.shape_cast %get3A_132 : vector<16xi32> to vector<16xi32>
    %mul3A_134 = arith.constant 256 : i32
    %mul3A_135 = vector.broadcast %mul3A_134 : i32 to vector<16xi32>
    %mul3A_136 = arith.muli %get3A_133, %mul3A_135 : vector<16xi32>
    %get3A_137 = arith.constant 128 : index
    %get3A_138 = tpu.vector_load %arg8[%get3A_137] {strides = array<i32>} : memref<256xi32, #tpu.memory_space<vmem>>, vector<16xi32>,
    %get3A_139 = vector.shape_cast %get3A_138 : vector<16xi32> to vector<16xi32>
    %add3A_140 = arith.addi %mul3A_136, %get3A_139 : vector<16xi32>
    %swap3A_141 = arith.constant 128 : index
    %swap3A_142 = tpu.vector_load %arg9[%swap3A_141] {strides = array<i32>} : memref<256xi32, #tpu.memory_space<vmem>>, vector<16xi32>,
    %swap3A_143 = vector.shape_cast %swap3A_142 : vector<16xi32> to vector<16xi32>
    %swap3A_144 = vector.shape_cast %add3A_140 : vector<16xi32> to vector<16xi32>
    tpu.vector_store %arg9[%swap3A_141], %swap3A_144 {strides = array<i32>} : memref<256xi32, #tpu.memory_space<vmem>>, vector<16xi32>,
    %get3A_145 = arith.constant 144 : index
    %get3A_146 = tpu.vector_load %arg7[%get3A_145] {strides = array<i32>} : memref<256xi32, #tpu.memory_space<vmem>>, vector<16xi32>,
    %get3A_147 = vector.shape_cast %get3A_146 : vector<16xi32> to vector<16xi32>
    %mul3A_148 = arith.constant 256 : i32
    %mul3A_149 = vector.broadcast %mul3A_148 : i32 to vector<16xi32>
    %mul3A_150 = arith.muli %get3A_147, %mul3A_149 : vector<16xi32>
    %get3A_151 = arith.constant 144 : index
    %get3A_152 = tpu.vector_load %arg8[%get3A_151] {strides = array<i32>} : memref<256xi32, #tpu.memory_space<vmem>>, vector<16xi32>,
    %get3A_153 = vector.shape_cast %get3A_152 : vector<16xi32> to vector<16xi32>
    %add3A_154 = arith.addi %mul3A_150, %get3A_153 : vector<16xi32>
    %swap3A_155 = arith.constant 144 : index
    %swap3A_156 = tpu.vector_load %arg9[%swap3A_155] {strides = array<i32>} : memref<256xi32, #tpu.memory_space<vmem>>, vector<16xi32>,
    %swap3A_157 = vector.shape_cast %swap3A_156 : vector<16xi32> to vector<16xi32>
    %swap3A_158 = vector.shape_cast %add3A_154 : vector<16xi32> to vector<16xi32>
    tpu.vector_store %arg9[%swap3A_155], %swap3A_158 {strides = array<i32>} : memref<256xi32, #tpu.memory_space<vmem>>, vector<16xi32>,
    %get3A_159 = arith.constant 160 : index
    %get3A_160 = tpu.vector_load %arg7[%get3A_159] {strides = array<i32>} : memref<256xi32, #tpu.memory_space<vmem>>, vector<16xi32>,
    %get3A_161 = vector.shape_cast %get3A_160 : vector<16xi32> to vector<16xi32>
    %mul3A_162 = arith.constant 256 : i32
    %mul3A_163 = vector.broadcast %mul3A_162 : i32 to vector<16xi32>
    %mul3A_164 = arith.muli %get3A_161, %mul3A_163 : vector<16xi32>
    %get3A_165 = arith.constant 160 : index
    %get3A_166 = tpu.vector_load %arg8[%get3A_165] {strides = array<i32>} : memref<256xi32, #tpu.memory_space<vmem>>, vector<16xi32>,
    %get3A_167 = vector.shape_cast %get3A_166 : vector<16xi32> to vector<16xi32>
    %add3A_168 = arith.addi %mul3A_164, %get3A_167 : vector<16xi32>
    %swap3A_169 = arith.constant 160 : index
    %swap3A_170 = tpu.vector_load %arg9[%swap3A_169] {strides = array<i32>} : memref<256xi32, #tpu.memory_space<vmem>>, vector<16xi32>,
    %swap3A_171 = vector.shape_cast %swap3A_170 : vector<16xi32> to vector<16xi32>
    %swap3A_172 = vector.shape_cast %add3A_168 : vector<16xi32> to vector<16xi32>
    tpu.vector_store %arg9[%swap3A_169], %swap3A_172 {strides = array<i32>} : memref<256xi32, #tpu.memory_space<vmem>>, vector<16xi32>,
    %get3A_173 = arith.constant 176 : index
    %get3A_174 = tpu.vector_load %arg7[%get3A_173] {strides = array<i32>} : memref<256xi32, #tpu.memory_space<vmem>>, vector<16xi32>,
    %get3A_175 = vector.shape_cast %get3A_174 : vector<16xi32> to vector<16xi32>
    %mul3A_176 = arith.constant 256 : i32
    %mul3A_177 = vector.broadcast %mul3A_176 : i32 to vector<16xi32>
    %mul3A_178 = arith.muli %get3A_175, %mul3A_177 : vector<16xi32>
    %get3A_179 = arith.constant 176 : index
    %get3A_180 = tpu.vector_load %arg8[%get3A_179] {strides = array<i32>} : memref<256xi32, #tpu.memory_space<vmem>>, vector<16xi32>,
    %get3A_181 = vector.shape_cast %get3A_180 : vector<16xi32> to vector<16xi32>
    %add3A_182 = arith.addi %mul3A_178, %get3A_181 : vector<16xi32>
    %swap3A_183 = arith.constant 176 : index
    %swap3A_184 = tpu.vector_load %arg9[%swap3A_183] {strides = array<i32>} : memref<256xi32, #tpu.memory_space<vmem>>, vector<16xi32>,
    %swap3A_185 = vector.shape_cast %swap3A_184 : vector<16xi32> to vector<16xi32>
    %swap3A_186 = vector.shape_cast %add3A_182 : vector<16xi32> to vector<16xi32>
    tpu.vector_store %arg9[%swap3A_183], %swap3A_186 {strides = array<i32>} : memref<256xi32, #tpu.memory_space<vmem>>, vector<16xi32>,
    %get3A_187 = arith.constant 192 : index
    %get3A_188 = tpu.vector_load %arg7[%get3A_187] {strides = array<i32>} : memref<256xi32, #tpu.memory_space<vmem>>, vector<16xi32>,
    %get3A_189 = vector.shape_cast %get3A_188 : vector<16xi32> to vector<16xi32>
    %mul3A_190 = arith.constant 256 : i32
    %mul3A_191 = vector.broadcast %mul3A_190 : i32 to vector<16xi32>
    %mul3A_192 = arith.muli %get3A_189, %mul3A_191 : vector<16xi32>
    %get3A_193 = arith.constant 192 : index
    %get3A_194 = tpu.vector_load %arg8[%get3A_193] {strides = array<i32>} : memref<256xi32, #tpu.memory_space<vmem>>, vector<16xi32>,
    %get3A_195 = vector.shape_cast %get3A_194 : vector<16xi32> to vector<16xi32>
    %add3A_196 = arith.addi %mul3A_192, %get3A_195 : vector<16xi32>
    %swap3A_197 = arith.constant 192 : index
    %swap3A_198 = tpu.vector_load %arg9[%swap3A_197] {strides = array<i32>} : memref<256xi32, #tpu.memory_space<vmem>>, vector<16xi32>,
    %swap3A_199 = vector.shape_cast %swap3A_198 : vector<16xi32> to vector<16xi32>
    %swap3A_200 = vector.shape_cast %add3A_196 : vector<16xi32> to vector<16xi32>
    tpu.vector_store %arg9[%swap3A_197], %swap3A_200 {strides = array<i32>} : memref<256xi32, #tpu.memory_space<vmem>>, vector<16xi32>,
    %get3A_201 = arith.constant 208 : index
    %get3A_202 = tpu.vector_load %arg7[%get3A_201] {strides = array<i32>} : memref<256xi32, #tpu.memory_space<vmem>>, vector<16xi32>,
    %get3A_203 = vector.shape_cast %get3A_202 : vector<16xi32> to vector<16xi32>
    %mul3A_204 = arith.constant 256 : i32
    %mul3A_205 = vector.broadcast %mul3A_204 : i32 to vector<16xi32>
    %mul3A_206 = arith.muli %get3A_203, %mul3A_205 : vector<16xi32>
    %get3A_207 = arith.constant 208 : index
    %get3A_208 = tpu.vector_load %arg8[%get3A_207] {strides = array<i32>} : memref<256xi32, #tpu.memory_space<vmem>>, vector<16xi32>,
    %get3A_209 = vector.shape_cast %get3A_208 : vector<16xi32> to vector<16xi32>
    %add3A_210 = arith.addi %mul3A_206, %get3A_209 : vector<16xi32>
    %swap3A_211 = arith.constant 208 : index
    %swap3A_212 = tpu.vector_load %arg9[%swap3A_211] {strides = array<i32>} : memref<256xi32, #tpu.memory_space<vmem>>, vector<16xi32>,
    %swap3A_213 = vector.shape_cast %swap3A_212 : vector<16xi32> to vector<16xi32>
    %swap3A_214 = vector.shape_cast %add3A_210 : vector<16xi32> to vector<16xi32>
    tpu.vector_store %arg9[%swap3A_211], %swap3A_214 {strides = array<i32>} : memref<256xi32, #tpu.memory_space<vmem>>, vector<16xi32>,
    %get3A_215 = arith.constant 224 : index
    %get3A_216 = tpu.vector_load %arg7[%get3A_215] {strides = array<i32>} : memref<256xi32, #tpu.memory_space<vmem>>, vector<16xi32>,
    %get3A_217 = vector.shape_cast %get3A_216 : vector<16xi32> to vector<16xi32>
    %mul3A_218 = arith.constant 256 : i32
    %mul3A_219 = vector.broadcast %mul3A_218 : i32 to vector<16xi32>
    %mul3A_220 = arith.muli %get3A_217, %mul3A_219 : vector<16xi32>
    %get3A_221 = arith.constant 224 : index
    %get3A_222 = tpu.vector_load %arg8[%get3A_221] {strides = array<i32>} : memref<256xi32, #tpu.memory_space<vmem>>, vector<16xi32>,
    %get3A_223 = vector.shape_cast %get3A_222 : vector<16xi32> to vector<16xi32>
    %add3A_224 = arith.addi %mul3A_220, %get3A_223 : vector<16xi32>
    %swap3A_225 = arith.constant 224 : index
    %swap3A_226 = tpu.vector_load %arg9[%swap3A_225] {strides = array<i32>} : memref<256xi32, #tpu.memory_space<vmem>>, vector<16xi32>,
    %swap3A_227 = vector.shape_cast %swap3A_226 : vector<16xi32> to vector<16xi32>
    %swap3A_228 = vector.shape_cast %add3A_224 : vector<16xi32> to vector<16xi32>
    tpu.vector_store %arg9[%swap3A_225], %swap3A_228 {strides = array<i32>} : memref<256xi32, #tpu.memory_space<vmem>>, vector<16xi32>,
    %get3A_229 = arith.constant 240 : index
    %get3A_230 = tpu.vector_load %arg7[%get3A_229] {strides = array<i32>} : memref<256xi32, #tpu.memory_space<vmem>>, vector<16xi32>,
    %get3A_231 = vector.shape_cast %get3A_230 : vector<16xi32> to vector<16xi32>
    %mul3A_232 = arith.constant 256 : i32
    %mul3A_233 = vector.broadcast %mul3A_232 : i32 to vector<16xi32>
    %mul3A_234 = arith.muli %get3A_231, %mul3A_233 : vector<16xi32>
    %get3A_235 = arith.constant 240 : index
    %get3A_236 = tpu.vector_load %arg8[%get3A_235] {strides = array<i32>} : memref<256xi32, #tpu.memory_space<vmem>>, vector<16xi32>,
    %get3A_237 = vector.shape_cast %get3A_236 : vector<16xi32> to vector<16xi32>
    %add3A_238 = arith.addi %mul3A_234, %get3A_237 : vector<16xi32>
    %swap3A_239 = arith.constant 240 : index
    %swap3A_240 = tpu.vector_load %arg9[%swap3A_239] {strides = array<i32>} : memref<256xi32, #tpu.memory_space<vmem>>, vector<16xi32>,
    %swap3A_241 = vector.shape_cast %swap3A_240 : vector<16xi32> to vector<16xi32>
    %swap3A_242 = vector.shape_cast %add3A_238 : vector<16xi32> to vector<16xi32>
    tpu.vector_store %arg9[%swap3A_239], %swap3A_242 {strides = array<i32>} : memref<256xi32, #tpu.memory_space<vmem>>, vector<16xi32>,
    %barrier3A = arith.constant 0 : index
    tpu.barrier barrier_id(%barrier3A)
    "tpu.region"() ({
      %run_scoped3A = tpu.sem_alloc : memref<!tpu.dma_semaphore, #tpu.memory_space<semaphore_mem>>
      %dma_start3A_253 = arith.constant 0 : i32
      %dma_start3A_254 = tpu.memref_slice %arg11[%dma_start3A_253] : memref<65536xf32, #tpu.memory_space<vmem_shared>> -> memref<65536xf32, #tpu.memory_space<vmem_shared>>
      tpu.enqueue_indirect_dma source(%arg10 : memref<256xf32, #tpu.memory_space<vmem>>) target(%dma_start3A_254 : memref<65536xf32, #tpu.memory_space<vmem_shared>>) offsets(%arg9 : memref<256xi32, #tpu.memory_space<vmem>>) semaphore(%run_scoped3A : memref<!tpu.dma_semaphore, #tpu.memory_space<semaphore_mem>>) {add = true}
      %dma_wait3A_255 = arith.constant 0 : i32
      %dma_wait3A_256 = tpu.memref_slice %arg11[%dma_wait3A_255] : memref<65536xf32, #tpu.memory_space<vmem_shared>> -> memref<65536xf32, #tpu.memory_space<vmem_shared>>
      tpu.wait_indirect_dma semaphore(%run_scoped3A : memref<!tpu.dma_semaphore, #tpu.memory_space<semaphore_mem>>) src(%arg10 : memref<256xf32, #tpu.memory_space<vmem>>) dst(%dma_wait3A_256 : memref<65536xf32, #tpu.memory_space<vmem_shared>>)
      tpu.yield
    }) : () -> ()
    %barrier3A_243 = arith.constant 0 : index
    tpu.barrier barrier_id(%barrier3A_243)
    %mul3A_244 = arith.constant 4096 : i32
    %mul3A_245 = arith.muli %arg1, %mul3A_244 : i32
    %mul3A_246 = arith.constant 256 : i32
    %mul3A_247 = arith.muli %arg0, %mul3A_246 : i32
    %mul3A_248 = arith.constant 256 : i32
    %mul3A_249 = arith.muli %mul3A_247, %mul3A_248 : i32
    %mul3A_250 = arith.constant 4096 : i32
    %mul3A_251 = arith.muli %arg1, %mul3A_250 : i32
    %add3A_252 = arith.addi %mul3A_249, %mul3A_251 : i32
    "tpu.region"() ({
      %run_scoped3A = tpu.sem_alloc : memref<!tpu.dma_semaphore, #tpu.memory_space<semaphore_mem>>
      %dma_start3A_253 = tpu.memref_slice %arg6[%add3A_252] : memref<65536xf32, #tpu.memory_space<hbm>> -> memref<4096xf32, #tpu.memory_space<hbm>>
      %dma_start3A_254 = tpu.memref_slice %arg11[%mul3A_245] : memref<65536xf32, #tpu.memory_space<vmem_shared>> -> memref<4096xf32, #tpu.memory_space<vmem_shared>>
      tpu.enqueue_dma source(%dma_start3A_254 : memref<4096xf32, #tpu.memory_space<vmem_shared>>) target(%dma_start3A_253 : memref<4096xf32, #tpu.memory_space<hbm>>) target_semaphore(%run_scoped3A : memref<!tpu.dma_semaphore, #tpu.memory_space<semaphore_mem>>)
      %dma_wait3A_255 = tpu.memref_slice %arg6[%add3A_252] : memref<65536xf32, #tpu.memory_space<hbm>> -> memref<4096xf32, #tpu.memory_space<hbm>>
      %dma_wait3A_256 = tpu.memref_slice %arg11[%mul3A_245] : memref<65536xf32, #tpu.memory_space<vmem_shared>> -> memref<4096xf32, #tpu.memory_space<vmem_shared>>
      tpu.wait_dma2 semaphore(%run_scoped3A : memref<!tpu.dma_semaphore, #tpu.memory_space<semaphore_mem>>) src(%dma_wait3A_256 : memref<4096xf32, #tpu.memory_space<vmem_shared>>) dst(%dma_wait3A_255 : memref<4096xf32, #tpu.memory_space<hbm>>)
      tpu.yield
    }) : () -> ()
    return
  }
}

module attributes {stable_mosaic.version = 14 : i64} {
  func.func @_stage2_body(%arg0: i32, %arg1: memref<256x64x256xbf16, #tpu.memory_space<vmem>>, %arg2: memref<1x256x256xf32, #tpu.memory_space<vmem>>, %arg3: memref<256x256xf32, #tpu.memory_space<vmem>>, %arg4: memref<256x256xf32, #tpu.memory_space<vmem>>, %arg5: memref<1x256xf32, #tpu.memory_space<vmem>>, %arg6: memref<256x256xf32, #tpu.memory_space<vmem>>, %arg7: memref<1x1xf32, #tpu.memory_space<vmem>>, %arg8: memref<64x1xf32, #tpu.memory_space<vmem>>) attributes {dimension_semantics = [#tpu.dimension_semantics<arbitrary>], iteration_bounds = array<i64: 8>, scalar_prefetch = 0 : i64, scratch_operands = 0 : i64, tpu.core_type = #tpu.core_type<tc>, window_params = [{transform_indices = @transform_0, window_bounds = array<i64: 256, 64, 256>}, {pipeline_mode = #tpu.pipeline_mode<synchronous>, transform_indices = @transform_1, window_bounds = array<i64: 1, 256, 256>}, {pipeline_mode = #tpu.pipeline_mode<synchronous>, transform_indices = @transform_2, window_bounds = array<i64: 256, 256>}, {pipeline_mode = #tpu.pipeline_mode<synchronous>, transform_indices = @transform_3, window_bounds = array<i64: 256, 256>}, {pipeline_mode = #tpu.pipeline_mode<synchronous>, transform_indices = @transform_4, window_bounds = array<i64: 1, 256>}, {pipeline_mode = #tpu.pipeline_mode<synchronous>, transform_indices = @transform_5, window_bounds = array<i64: 256, 256>}, {pipeline_mode = #tpu.pipeline_mode<synchronous>, transform_indices = @transform_6, window_bounds = array<i64: 1, 1>}, {transform_indices = @transform_7, window_bounds = array<i64: 64, 1>}]} {
    %get3A = arith.constant 0 : index
    %get3A_0 = arith.constant 0 : index
    %get3A_1 = arith.constant 0 : index
    %get3A_2 = vector.load %arg1[%get3A, %get3A_0, %get3A_1] : memref<256x64x256xbf16, #tpu.memory_space<vmem>>, vector<256x64x256xbf16>
    %reshape3A = vector.shape_cast %get3A_2 : vector<256x64x256xbf16> to vector<256x16384xbf16>
    %get3A_3 = arith.constant 0 : index
    %get3A_4 = arith.constant 0 : index
    %get3A_5 = arith.constant 0 : index
    %get3A_6 = vector.load %arg2[%get3A_3, %get3A_4, %get3A_5] : memref<1x256x256xf32, #tpu.memory_space<vmem>>, vector<1x256x256xf32>
    %get3A_7 = vector.shape_cast %get3A_6 : vector<1x256x256xf32> to vector<256x256xf32>
    %gt3A = arith.constant 5.000000e-01 : f32
    %gt3A_8 = vector.broadcast %gt3A : f32 to vector<256x256xf32>
    %gt3A_9 = arith.cmpf ogt, %get3A_7, %gt3A_8 : vector<256x256xf32>
    %convert_element_type3A = arith.extui %gt3A_9 : vector<256x256xi1> to vector<256x256xi32>
    %convert_element_type3A_10 = arith.sitofp %convert_element_type3A : vector<256x256xi32> to vector<256x256xf32>
    %convert_element_type3A_11 = arith.truncf %convert_element_type3A_10 : vector<256x256xf32> to vector<256x256xbf16>
    %dot_general3A = arith.constant dense<0.000000e+00> : vector<256x16384xf32>
    %dot_general3A_12 = tpu.matmul %convert_element_type3A_11, %reshape3A, %dot_general3A {dimension_numbers = #tpu.dot_dimension_numbers<[1], [0], [0], [1], [0, 0, 1, 1], [], []>, transpose_lhs_hint = false} : vector<256x256xbf16>, vector<256x16384xbf16>, vector<256x16384xf32> -> vector<256x16384xf32>
    %reshape3A_13 = vector.shape_cast %get3A_2 : vector<256x64x256xbf16> to vector<16384x256xbf16>
    %convert_element_type3A_14 = arith.truncf %dot_general3A_12 : vector<256x16384xf32> to vector<256x16384xbf16>
    %reshape3A_15 = vector.shape_cast %convert_element_type3A_14 : vector<256x16384xbf16> to vector<16384x256xbf16>
    %concatenate3A = tpu.concatenate %reshape3A_13, %reshape3A_15 in 1 : vector<16384x256xbf16>, vector<16384x256xbf16> -> vector<16384x512xbf16>
    %get3A_16 = arith.constant 0 : index
    %get3A_17 = arith.constant 0 : index
    %get3A_18 = vector.load %arg3[%get3A_16, %get3A_17] : memref<256x256xf32, #tpu.memory_space<vmem>>, vector<256x256xf32>
    %convert_element_type3A_19 = arith.truncf %get3A_18 : vector<256x256xf32> to vector<256x256xbf16>
    %get3A_20 = arith.constant 0 : index
    %get3A_21 = arith.constant 0 : index
    %get3A_22 = vector.load %arg4[%get3A_20, %get3A_21] : memref<256x256xf32, #tpu.memory_space<vmem>>, vector<256x256xf32>
    %convert_element_type3A_23 = arith.truncf %get3A_22 : vector<256x256xf32> to vector<256x256xbf16>
    %concatenate3A_24 = tpu.concatenate %convert_element_type3A_19, %convert_element_type3A_23 in 0 : vector<256x256xbf16>, vector<256x256xbf16> -> vector<512x256xbf16>
    %dot_general3A_25 = arith.constant dense<0.000000e+00> : vector<16384x256xf32>
    %dot_general3A_26 = tpu.matmul %concatenate3A, %concatenate3A_24, %dot_general3A_25 {dimension_numbers = #tpu.dot_dimension_numbers<[1], [0], [0], [1], [0, 0, 1, 1], [], []>, transpose_lhs_hint = false} : vector<16384x512xbf16>, vector<512x256xbf16>, vector<16384x256xf32> -> vector<16384x256xf32>
    %get3A_27 = arith.constant 0 : index
    %get3A_28 = arith.constant 0 : index
    %get3A_29 = vector.load %arg5[%get3A_27, %get3A_28] : memref<1x256xf32, #tpu.memory_space<vmem>>, vector<1x256xf32>
    %add3A = vector.broadcast %get3A_29 : vector<1x256xf32> to vector<16384x256xf32>
    %add3A_30 = arith.addf %dot_general3A_26, %add3A : vector<16384x256xf32>
    %max3A = arith.constant 0.000000e+00 : f32
    %max3A_31 = vector.broadcast %max3A : f32 to vector<16384x256xf32>
    %max3A_32 = arith.maximumf %add3A_30, %max3A_31 : vector<16384x256xf32>
    %reshape3A_33 = vector.shape_cast %max3A_32 : vector<16384x256xf32> to vector<256x64x256xf32>
    %get3A_34 = arith.constant 0 : index
    %get3A_35 = arith.constant 0 : index
    %get3A_36 = vector.load %arg6[%get3A_34, %get3A_35] : memref<256x256xf32, #tpu.memory_space<vmem>>, vector<256x256xf32>
    %broadcast_in_dim3A = vector.shape_cast %get3A_36 : vector<256x256xf32> to vector<256x1x256xf32>
    %mul3A = vector.broadcast %broadcast_in_dim3A : vector<256x1x256xf32> to vector<256x64x256xf32>
    %mul3A_37 = arith.mulf %reshape3A_33, %mul3A : vector<256x64x256xf32>
    %reduce_sum3A = arith.constant dense<0.000000e+00> : vector<64xf32>
    %reduce_sum3A_38 = vector.multi_reduction <add>, %mul3A_37, %reduce_sum3A [0, 2] : vector<256x64x256xf32> to vector<64xf32>
    %reshape3A_39 = vector.shape_cast %reduce_sum3A_38 : vector<64xf32> to vector<64x1xf32>
    %get3A_40 = arith.constant 0 : index
    %get3A_41 = arith.constant 0 : index
    %get3A_42 = vector.load %arg7[%get3A_40, %get3A_41] : memref<1x1xf32, #tpu.memory_space<vmem>>, vector<1x1xf32>
    %get3A_43 = vector.extract %get3A_42[0, 0] : f32 from vector<1x1xf32>
    %add3A_44 = vector.broadcast %get3A_43 : f32 to vector<64x1xf32>
    %add3A_45 = arith.addf %reshape3A_39, %add3A_44 : vector<64x1xf32>
    %swap3A = arith.constant 0 : index
    %swap3A_46 = arith.constant 0 : index
    %swap3A_47 = vector.load %arg8[%swap3A, %swap3A_46] : memref<64x1xf32, #tpu.memory_space<vmem>>, vector<64x1xf32>
    tpu.vector_store %arg8[%swap3A, %swap3A_46], %add3A_45 {strides = array<i32>} : memref<64x1xf32, #tpu.memory_space<vmem>>, vector<64x1xf32>,
    return
  }
  func.func @transform_0(%arg0: i32) -> (i32, i32, i32) {
    %c0_i32 = arith.constant 0 : i32
    %c0_i32_0 = arith.constant 0 : i32
    %c0_i32_1 = arith.constant 0 : i32
    return %c0_i32, %arg0, %c0_i32_0 : i32, i32, i32
  }
  func.func @transform_1(%arg0: i32) -> (i32, i32, i32) {
    %c0_i32 = arith.constant 0 : i32
    %c0_i32_0 = arith.constant 0 : i32
    %c0_i32_1 = arith.constant 0 : i32
    %c0_i32_2 = arith.constant 0 : i32
    return %c0_i32, %c0_i32_0, %c0_i32_1 : i32, i32, i32
  }
  func.func @transform_2(%arg0: i32) -> (i32, i32) {
    %c0_i32 = arith.constant 0 : i32
    %c0_i32_0 = arith.constant 0 : i32
    %c0_i32_1 = arith.constant 0 : i32
    return %c0_i32, %c0_i32_0 : i32, i32
  }
  func.func @transform_3(%arg0: i32) -> (i32, i32) {
    %c0_i32 = arith.constant 0 : i32
    %c0_i32_0 = arith.constant 0 : i32
    %c0_i32_1 = arith.constant 0 : i32
    return %c0_i32, %c0_i32_0 : i32, i32
  }
  func.func @transform_4(%arg0: i32) -> (i32, i32) {
    %c0_i32 = arith.constant 0 : i32
    %c0_i32_0 = arith.constant 0 : i32
    %c0_i32_1 = arith.constant 0 : i32
    return %c0_i32, %c0_i32_0 : i32, i32
  }
  func.func @transform_5(%arg0: i32) -> (i32, i32) {
    %c0_i32 = arith.constant 0 : i32
    %c0_i32_0 = arith.constant 0 : i32
    %c0_i32_1 = arith.constant 0 : i32
    return %c0_i32, %c0_i32_0 : i32, i32
  }
  func.func @transform_6(%arg0: i32) -> (i32, i32) {
    %c0_i32 = arith.constant 0 : i32
    %c0_i32_0 = arith.constant 0 : i32
    %c0_i32_1 = arith.constant 0 : i32
    return %c0_i32, %c0_i32_0 : i32, i32
  }
  func.func @transform_7(%arg0: i32) -> (i32, i32) {
    %c0_i32 = arith.constant 0 : i32
    %c0_i32_0 = arith.constant 0 : i32
    return %arg0, %c0_i32 : i32, i32
  }
}

module attributes {stable_mosaic.version = 14 : i64} {
  func.func @_stage1_body(%arg0: i32, %arg1: memref<1x256x256xf32, #tpu.memory_space<vmem>>, %arg2: memref<512x256xf32, #tpu.memory_space<vmem>>, %arg3: memref<256x256xf32, #tpu.memory_space<vmem>>, %arg4: memref<256x256xf32, #tpu.memory_space<vmem>>, %arg5: memref<1x256xf32, #tpu.memory_space<vmem>>, %arg6: memref<16x512x256xbf16, #tpu.memory_space<vmem>>, %arg7: memref<256x256xbf16, #tpu.memory_space<vmem>>, %arg8: memref<256x256xbf16, #tpu.memory_space<vmem>>) attributes {dimension_semantics = [#tpu.dimension_semantics<arbitrary>], iteration_bounds = array<i64: 16>, scalar_prefetch = 0 : i64, scratch_operands = 2 : i64, tpu.core_type = #tpu.core_type<tc>, window_params = [{pipeline_mode = #tpu.pipeline_mode<synchronous>, transform_indices = @transform_0, window_bounds = array<i64: 1, 256, 256>}, {pipeline_mode = #tpu.pipeline_mode<synchronous>, transform_indices = @transform_1, window_bounds = array<i64: 512, 256>}, {pipeline_mode = #tpu.pipeline_mode<synchronous>, transform_indices = @transform_2, window_bounds = array<i64: 256, 256>}, {pipeline_mode = #tpu.pipeline_mode<synchronous>, transform_indices = @transform_3, window_bounds = array<i64: 256, 256>}, {pipeline_mode = #tpu.pipeline_mode<synchronous>, transform_indices = @transform_4, window_bounds = array<i64: 1, 256>}, {transform_indices = @transform_5, window_bounds = array<i64: 16, 512, 256>}]} {
    %eq3A = arith.constant 0 : i32
    %eq3A_0 = arith.cmpi eq, %arg0, %eq3A : i32
    %convert_element_type3A = arith.extui %eq3A_0 : i1 to i32
    %cond3A = arith.constant 0 : i32
    %cond3A_1 = arith.cmpi ne, %convert_element_type3A, %cond3A : i32
    scf.if %cond3A_1 {
      %get3A_283 = arith.constant 0 : index
      %get3A_284 = arith.constant 0 : index
      %get3A_285 = arith.constant 0 : index
      %get3A_286 = vector.load %arg1[%get3A_283, %get3A_284, %get3A_285] : memref<1x256x256xf32, #tpu.memory_space<vmem>>, vector<1x256x256xf32>
      %get3A_287 = vector.shape_cast %get3A_286 : vector<1x256x256xf32> to vector<256x256xf32>
      %gt3A = arith.constant 5.000000e-01 : f32
      %gt3A_288 = vector.broadcast %gt3A : f32 to vector<256x256xf32>
      %gt3A_289 = arith.cmpf ogt, %get3A_287, %gt3A_288 : vector<256x256xf32>
      %convert_element_type3A_290 = arith.extui %gt3A_289 : vector<256x256xi1> to vector<256x256xi32>
      %convert_element_type3A_291 = arith.sitofp %convert_element_type3A_290 : vector<256x256xi32> to vector<256x256xf32>
      %iota3A = tpu.iota {dimensions = array<i32: 0>} : vector<256x1xi32>
      %iota3A_292 = tpu.iota {dimensions = array<i32: 1>} : vector<1x256xi32>
      %eq3A_293 = vector.broadcast %iota3A : vector<256x1xi32> to vector<256x256xi32>
      %eq3A_294 = vector.broadcast %iota3A_292 : vector<1x256xi32> to vector<256x256xi32>
      %eq3A_295 = arith.cmpi eq, %eq3A_293, %eq3A_294 : vector<256x256xi32>
      %convert_element_type3A_296 = arith.extui %eq3A_295 : vector<256x256xi1> to vector<256x256xi32>
      %convert_element_type3A_297 = arith.sitofp %convert_element_type3A_296 : vector<256x256xi32> to vector<256x256xf32>
      %add3A_298 = arith.addf %convert_element_type3A_291, %convert_element_type3A_297 : vector<256x256xf32>
      %min3A = arith.constant 1.000000e+00 : f32
      %min3A_299 = vector.broadcast %min3A : f32 to vector<256x256xf32>
      %min3A_300 = arith.minimumf %add3A_298, %min3A_299 : vector<256x256xf32>
      %convert_element_type3A_301 = arith.truncf %min3A_300 : vector<256x256xf32> to vector<256x256xbf16>
      %swap3A_302 = arith.constant 0 : index
      %swap3A_303 = arith.constant 0 : index
      %swap3A_304 = vector.load %arg7[%swap3A_302, %swap3A_303] : memref<256x256xbf16, #tpu.memory_space<vmem>>, vector<256x256xbf16>
      tpu.vector_store %arg7[%swap3A_302, %swap3A_303], %convert_element_type3A_301 {strides = array<i32>} : memref<256x256xbf16, #tpu.memory_space<vmem>>, vector<256x256xbf16>,
      %convert_element_type3A_305 = arith.truncf %convert_element_type3A_291 : vector<256x256xf32> to vector<256x256xbf16>
      %convert_element_type3A_306 = arith.truncf %min3A_300 : vector<256x256xf32> to vector<256x256xbf16>
      %dot_general3A_307 = arith.constant dense<0.000000e+00> : vector<256x256xf32>
      %dot_general3A_308 = tpu.matmul %convert_element_type3A_305, %convert_element_type3A_306, %dot_general3A_307 {dimension_numbers = #tpu.dot_dimension_numbers<[1], [0], [0], [1], [0, 0, 1, 1], [], []>, transpose_lhs_hint = false} : vector<256x256xbf16>, vector<256x256xbf16>, vector<256x256xf32> -> vector<256x256xf32>
      %convert_element_type3A_309 = arith.truncf %dot_general3A_308 : vector<256x256xf32> to vector<256x256xbf16>
      %swap3A_310 = arith.constant 0 : index
      %swap3A_311 = arith.constant 0 : index
      %swap3A_312 = vector.load %arg8[%swap3A_310, %swap3A_311] : memref<256x256xbf16, #tpu.memory_space<vmem>>, vector<256x256xbf16>
      tpu.vector_store %arg8[%swap3A_310, %swap3A_311], %convert_element_type3A_309 {strides = array<i32>} : memref<256x256xbf16, #tpu.memory_space<vmem>>, vector<256x256xbf16>,
    } else {
    }
    %get3A = arith.constant 0 : index
    %get3A_2 = arith.constant 0 : index
    %get3A_3 = vector.load %arg2[%get3A, %get3A_2] : memref<512x256xf32, #tpu.memory_space<vmem>>, vector<512x256xf32>
    %convert_element_type3A_4 = arith.truncf %get3A_3 : vector<512x256xf32> to vector<512x256xbf16>
    %get3A_5 = arith.constant 0 : index
    %get3A_6 = arith.constant 0 : index
    %get3A_7 = vector.load %arg3[%get3A_5, %get3A_6] : memref<256x256xf32, #tpu.memory_space<vmem>>, vector<256x256xf32>
    %convert_element_type3A_8 = arith.truncf %get3A_7 : vector<256x256xf32> to vector<256x256xbf16>
    %get3A_9 = arith.constant 0 : index
    %get3A_10 = arith.constant 0 : index
    %get3A_11 = vector.load %arg4[%get3A_9, %get3A_10] : memref<256x256xf32, #tpu.memory_space<vmem>>, vector<256x256xf32>
    %convert_element_type3A_12 = arith.truncf %get3A_11 : vector<256x256xf32> to vector<256x256xbf16>
    %get3A_13 = arith.constant 0 : index
    %get3A_14 = arith.constant 0 : index
    %get3A_15 = vector.load %arg5[%get3A_13, %get3A_14] : memref<1x256xf32, #tpu.memory_space<vmem>>, vector<1x256xf32>
    %mul3A = arith.constant 16 : i32
    %mul3A_16 = arith.muli %arg0, %mul3A : i32
    %get3A_17 = arith.index_cast %mul3A_16 : i32 to index
    %get3A_18 = arith.constant 0 : index
    %get3A_19 = vector.load %arg7[%get3A_17, %get3A_18] : memref<256x256xbf16, #tpu.memory_space<vmem>>, vector<16x256xbf16>
    %get3A_20 = arith.index_cast %mul3A_16 : i32 to index
    %get3A_21 = arith.constant 0 : index
    %get3A_22 = vector.load %arg8[%get3A_20, %get3A_21] : memref<256x256xbf16, #tpu.memory_space<vmem>>, vector<16x256xbf16>
    %broadcast_in_dim3A = vector.shape_cast %get3A_19 : vector<16x256xbf16> to vector<16x256x1xbf16>
    %broadcast_in_dim3A_23 = vector.shape_cast %convert_element_type3A_8 : vector<256x256xbf16> to vector<1x256x256xbf16>
    %mul3A_24 = vector.broadcast %broadcast_in_dim3A : vector<16x256x1xbf16> to vector<16x256x256xbf16>
    %mul3A_25 = vector.broadcast %broadcast_in_dim3A_23 : vector<1x256x256xbf16> to vector<16x256x256xbf16>
    %mul3A_26 = arith.mulf %mul3A_24, %mul3A_25 : vector<16x256x256xbf16>
    %broadcast_in_dim3A_27 = vector.shape_cast %get3A_22 : vector<16x256xbf16> to vector<16x256x1xbf16>
    %broadcast_in_dim3A_28 = vector.shape_cast %convert_element_type3A_12 : vector<256x256xbf16> to vector<1x256x256xbf16>
    %mul3A_29 = vector.broadcast %broadcast_in_dim3A_27 : vector<16x256x1xbf16> to vector<16x256x256xbf16>
    %mul3A_30 = vector.broadcast %broadcast_in_dim3A_28 : vector<1x256x256xbf16> to vector<16x256x256xbf16>
    %mul3A_31 = arith.mulf %mul3A_29, %mul3A_30 : vector<16x256x256xbf16>
    %add3A = arith.addf %mul3A_26, %mul3A_31 : vector<16x256x256xbf16>
    %slice3A = vector.extract_strided_slice %add3A {offsets = [0, 0, 0], sizes = [1, 256, 256], strides = [1, 1, 1]} : vector<16x256x256xbf16> to vector<1x256x256xbf16>
    %squeeze3A = vector.shape_cast %slice3A : vector<1x256x256xbf16> to vector<256x256xbf16>
    %dot_general3A = arith.constant dense<0.000000e+00> : vector<512x256xf32>
    %dot_general3A_32 = tpu.matmul %convert_element_type3A_4, %squeeze3A, %dot_general3A {dimension_numbers = #tpu.dot_dimension_numbers<[1], [0], [0], [1], [0, 0, 1, 1], [], []>, transpose_lhs_hint = false} : vector<512x256xbf16>, vector<256x256xbf16>, vector<512x256xf32> -> vector<512x256xf32>
    %add3A_33 = vector.broadcast %get3A_15 : vector<1x256xf32> to vector<512x256xf32>
    %add3A_34 = arith.addf %dot_general3A_32, %add3A_33 : vector<512x256xf32>
    %max3A = arith.constant 0.000000e+00 : f32
    %max3A_35 = vector.broadcast %max3A : f32 to vector<512x256xf32>
    %max3A_36 = arith.maximumf %add3A_34, %max3A_35 : vector<512x256xf32>
    %convert_element_type3A_37 = arith.truncf %max3A_36 : vector<512x256xf32> to vector<512x256xbf16>
    %swap3A = arith.constant 0 : index
    %swap3A_38 = arith.constant 0 : index
    %swap3A_39 = arith.constant 0 : index
    %swap3A_40 = vector.load %arg6[%swap3A, %swap3A_38, %swap3A_39] : memref<16x512x256xbf16, #tpu.memory_space<vmem>>, vector<1x512x256xbf16>
    %swap3A_41 = vector.shape_cast %swap3A_40 : vector<1x512x256xbf16> to vector<512x256xbf16>
    %swap3A_42 = vector.shape_cast %convert_element_type3A_37 : vector<512x256xbf16> to vector<1x512x256xbf16>
    tpu.vector_store %arg6[%swap3A, %swap3A_38, %swap3A_39], %swap3A_42 {strides = array<i32>} : memref<16x512x256xbf16, #tpu.memory_space<vmem>>, vector<1x512x256xbf16>,
    %slice3A_43 = vector.extract_strided_slice %add3A {offsets = [1, 0, 0], sizes = [1, 256, 256], strides = [1, 1, 1]} : vector<16x256x256xbf16> to vector<1x256x256xbf16>
    %squeeze3A_44 = vector.shape_cast %slice3A_43 : vector<1x256x256xbf16> to vector<256x256xbf16>
    %dot_general3A_45 = arith.constant dense<0.000000e+00> : vector<512x256xf32>
    %dot_general3A_46 = tpu.matmul %convert_element_type3A_4, %squeeze3A_44, %dot_general3A_45 {dimension_numbers = #tpu.dot_dimension_numbers<[1], [0], [0], [1], [0, 0, 1, 1], [], []>, transpose_lhs_hint = false} : vector<512x256xbf16>, vector<256x256xbf16>, vector<512x256xf32> -> vector<512x256xf32>
    %add3A_47 = vector.broadcast %get3A_15 : vector<1x256xf32> to vector<512x256xf32>
    %add3A_48 = arith.addf %dot_general3A_46, %add3A_47 : vector<512x256xf32>
    %max3A_49 = arith.constant 0.000000e+00 : f32
    %max3A_50 = vector.broadcast %max3A_49 : f32 to vector<512x256xf32>
    %max3A_51 = arith.maximumf %add3A_48, %max3A_50 : vector<512x256xf32>
    %convert_element_type3A_52 = arith.truncf %max3A_51 : vector<512x256xf32> to vector<512x256xbf16>
    %swap3A_53 = arith.constant 1 : index
    %swap3A_54 = arith.constant 0 : index
    %swap3A_55 = arith.constant 0 : index
    %swap3A_56 = vector.load %arg6[%swap3A_53, %swap3A_54, %swap3A_55] : memref<16x512x256xbf16, #tpu.memory_space<vmem>>, vector<1x512x256xbf16>
    %swap3A_57 = vector.shape_cast %swap3A_56 : vector<1x512x256xbf16> to vector<512x256xbf16>
    %swap3A_58 = vector.shape_cast %convert_element_type3A_52 : vector<512x256xbf16> to vector<1x512x256xbf16>
    tpu.vector_store %arg6[%swap3A_53, %swap3A_54, %swap3A_55], %swap3A_58 {strides = array<i32>} : memref<16x512x256xbf16, #tpu.memory_space<vmem>>, vector<1x512x256xbf16>,
    %slice3A_59 = vector.extract_strided_slice %add3A {offsets = [2, 0, 0], sizes = [1, 256, 256], strides = [1, 1, 1]} : vector<16x256x256xbf16> to vector<1x256x256xbf16>
    %squeeze3A_60 = vector.shape_cast %slice3A_59 : vector<1x256x256xbf16> to vector<256x256xbf16>
    %dot_general3A_61 = arith.constant dense<0.000000e+00> : vector<512x256xf32>
    %dot_general3A_62 = tpu.matmul %convert_element_type3A_4, %squeeze3A_60, %dot_general3A_61 {dimension_numbers = #tpu.dot_dimension_numbers<[1], [0], [0], [1], [0, 0, 1, 1], [], []>, transpose_lhs_hint = false} : vector<512x256xbf16>, vector<256x256xbf16>, vector<512x256xf32> -> vector<512x256xf32>
    %add3A_63 = vector.broadcast %get3A_15 : vector<1x256xf32> to vector<512x256xf32>
    %add3A_64 = arith.addf %dot_general3A_62, %add3A_63 : vector<512x256xf32>
    %max3A_65 = arith.constant 0.000000e+00 : f32
    %max3A_66 = vector.broadcast %max3A_65 : f32 to vector<512x256xf32>
    %max3A_67 = arith.maximumf %add3A_64, %max3A_66 : vector<512x256xf32>
    %convert_element_type3A_68 = arith.truncf %max3A_67 : vector<512x256xf32> to vector<512x256xbf16>
    %swap3A_69 = arith.constant 2 : index
    %swap3A_70 = arith.constant 0 : index
    %swap3A_71 = arith.constant 0 : index
    %swap3A_72 = vector.load %arg6[%swap3A_69, %swap3A_70, %swap3A_71] : memref<16x512x256xbf16, #tpu.memory_space<vmem>>, vector<1x512x256xbf16>
    %swap3A_73 = vector.shape_cast %swap3A_72 : vector<1x512x256xbf16> to vector<512x256xbf16>
    %swap3A_74 = vector.shape_cast %convert_element_type3A_68 : vector<512x256xbf16> to vector<1x512x256xbf16>
    tpu.vector_store %arg6[%swap3A_69, %swap3A_70, %swap3A_71], %swap3A_74 {strides = array<i32>} : memref<16x512x256xbf16, #tpu.memory_space<vmem>>, vector<1x512x256xbf16>,
    %slice3A_75 = vector.extract_strided_slice %add3A {offsets = [3, 0, 0], sizes = [1, 256, 256], strides = [1, 1, 1]} : vector<16x256x256xbf16> to vector<1x256x256xbf16>
    %squeeze3A_76 = vector.shape_cast %slice3A_75 : vector<1x256x256xbf16> to vector<256x256xbf16>
    %dot_general3A_77 = arith.constant dense<0.000000e+00> : vector<512x256xf32>
    %dot_general3A_78 = tpu.matmul %convert_element_type3A_4, %squeeze3A_76, %dot_general3A_77 {dimension_numbers = #tpu.dot_dimension_numbers<[1], [0], [0], [1], [0, 0, 1, 1], [], []>, transpose_lhs_hint = false} : vector<512x256xbf16>, vector<256x256xbf16>, vector<512x256xf32> -> vector<512x256xf32>
    %add3A_79 = vector.broadcast %get3A_15 : vector<1x256xf32> to vector<512x256xf32>
    %add3A_80 = arith.addf %dot_general3A_78, %add3A_79 : vector<512x256xf32>
    %max3A_81 = arith.constant 0.000000e+00 : f32
    %max3A_82 = vector.broadcast %max3A_81 : f32 to vector<512x256xf32>
    %max3A_83 = arith.maximumf %add3A_80, %max3A_82 : vector<512x256xf32>
    %convert_element_type3A_84 = arith.truncf %max3A_83 : vector<512x256xf32> to vector<512x256xbf16>
    %swap3A_85 = arith.constant 3 : index
    %swap3A_86 = arith.constant 0 : index
    %swap3A_87 = arith.constant 0 : index
    %swap3A_88 = vector.load %arg6[%swap3A_85, %swap3A_86, %swap3A_87] : memref<16x512x256xbf16, #tpu.memory_space<vmem>>, vector<1x512x256xbf16>
    %swap3A_89 = vector.shape_cast %swap3A_88 : vector<1x512x256xbf16> to vector<512x256xbf16>
    %swap3A_90 = vector.shape_cast %convert_element_type3A_84 : vector<512x256xbf16> to vector<1x512x256xbf16>
    tpu.vector_store %arg6[%swap3A_85, %swap3A_86, %swap3A_87], %swap3A_90 {strides = array<i32>} : memref<16x512x256xbf16, #tpu.memory_space<vmem>>, vector<1x512x256xbf16>,
    %slice3A_91 = vector.extract_strided_slice %add3A {offsets = [4, 0, 0], sizes = [1, 256, 256], strides = [1, 1, 1]} : vector<16x256x256xbf16> to vector<1x256x256xbf16>
    %squeeze3A_92 = vector.shape_cast %slice3A_91 : vector<1x256x256xbf16> to vector<256x256xbf16>
    %dot_general3A_93 = arith.constant dense<0.000000e+00> : vector<512x256xf32>
    %dot_general3A_94 = tpu.matmul %convert_element_type3A_4, %squeeze3A_92, %dot_general3A_93 {dimension_numbers = #tpu.dot_dimension_numbers<[1], [0], [0], [1], [0, 0, 1, 1], [], []>, transpose_lhs_hint = false} : vector<512x256xbf16>, vector<256x256xbf16>, vector<512x256xf32> -> vector<512x256xf32>
    %add3A_95 = vector.broadcast %get3A_15 : vector<1x256xf32> to vector<512x256xf32>
    %add3A_96 = arith.addf %dot_general3A_94, %add3A_95 : vector<512x256xf32>
    %max3A_97 = arith.constant 0.000000e+00 : f32
    %max3A_98 = vector.broadcast %max3A_97 : f32 to vector<512x256xf32>
    %max3A_99 = arith.maximumf %add3A_96, %max3A_98 : vector<512x256xf32>
    %convert_element_type3A_100 = arith.truncf %max3A_99 : vector<512x256xf32> to vector<512x256xbf16>
    %swap3A_101 = arith.constant 4 : index
    %swap3A_102 = arith.constant 0 : index
    %swap3A_103 = arith.constant 0 : index
    %swap3A_104 = vector.load %arg6[%swap3A_101, %swap3A_102, %swap3A_103] : memref<16x512x256xbf16, #tpu.memory_space<vmem>>, vector<1x512x256xbf16>
    %swap3A_105 = vector.shape_cast %swap3A_104 : vector<1x512x256xbf16> to vector<512x256xbf16>
    %swap3A_106 = vector.shape_cast %convert_element_type3A_100 : vector<512x256xbf16> to vector<1x512x256xbf16>
    tpu.vector_store %arg6[%swap3A_101, %swap3A_102, %swap3A_103], %swap3A_106 {strides = array<i32>} : memref<16x512x256xbf16, #tpu.memory_space<vmem>>, vector<1x512x256xbf16>,
    %slice3A_107 = vector.extract_strided_slice %add3A {offsets = [5, 0, 0], sizes = [1, 256, 256], strides = [1, 1, 1]} : vector<16x256x256xbf16> to vector<1x256x256xbf16>
    %squeeze3A_108 = vector.shape_cast %slice3A_107 : vector<1x256x256xbf16> to vector<256x256xbf16>
    %dot_general3A_109 = arith.constant dense<0.000000e+00> : vector<512x256xf32>
    %dot_general3A_110 = tpu.matmul %convert_element_type3A_4, %squeeze3A_108, %dot_general3A_109 {dimension_numbers = #tpu.dot_dimension_numbers<[1], [0], [0], [1], [0, 0, 1, 1], [], []>, transpose_lhs_hint = false} : vector<512x256xbf16>, vector<256x256xbf16>, vector<512x256xf32> -> vector<512x256xf32>
    %add3A_111 = vector.broadcast %get3A_15 : vector<1x256xf32> to vector<512x256xf32>
    %add3A_112 = arith.addf %dot_general3A_110, %add3A_111 : vector<512x256xf32>
    %max3A_113 = arith.constant 0.000000e+00 : f32
    %max3A_114 = vector.broadcast %max3A_113 : f32 to vector<512x256xf32>
    %max3A_115 = arith.maximumf %add3A_112, %max3A_114 : vector<512x256xf32>
    %convert_element_type3A_116 = arith.truncf %max3A_115 : vector<512x256xf32> to vector<512x256xbf16>
    %swap3A_117 = arith.constant 5 : index
    %swap3A_118 = arith.constant 0 : index
    %swap3A_119 = arith.constant 0 : index
    %swap3A_120 = vector.load %arg6[%swap3A_117, %swap3A_118, %swap3A_119] : memref<16x512x256xbf16, #tpu.memory_space<vmem>>, vector<1x512x256xbf16>
    %swap3A_121 = vector.shape_cast %swap3A_120 : vector<1x512x256xbf16> to vector<512x256xbf16>
    %swap3A_122 = vector.shape_cast %convert_element_type3A_116 : vector<512x256xbf16> to vector<1x512x256xbf16>
    tpu.vector_store %arg6[%swap3A_117, %swap3A_118, %swap3A_119], %swap3A_122 {strides = array<i32>} : memref<16x512x256xbf16, #tpu.memory_space<vmem>>, vector<1x512x256xbf16>,
    %slice3A_123 = vector.extract_strided_slice %add3A {offsets = [6, 0, 0], sizes = [1, 256, 256], strides = [1, 1, 1]} : vector<16x256x256xbf16> to vector<1x256x256xbf16>
    %squeeze3A_124 = vector.shape_cast %slice3A_123 : vector<1x256x256xbf16> to vector<256x256xbf16>
    %dot_general3A_125 = arith.constant dense<0.000000e+00> : vector<512x256xf32>
    %dot_general3A_126 = tpu.matmul %convert_element_type3A_4, %squeeze3A_124, %dot_general3A_125 {dimension_numbers = #tpu.dot_dimension_numbers<[1], [0], [0], [1], [0, 0, 1, 1], [], []>, transpose_lhs_hint = false} : vector<512x256xbf16>, vector<256x256xbf16>, vector<512x256xf32> -> vector<512x256xf32>
    %add3A_127 = vector.broadcast %get3A_15 : vector<1x256xf32> to vector<512x256xf32>
    %add3A_128 = arith.addf %dot_general3A_126, %add3A_127 : vector<512x256xf32>
    %max3A_129 = arith.constant 0.000000e+00 : f32
    %max3A_130 = vector.broadcast %max3A_129 : f32 to vector<512x256xf32>
    %max3A_131 = arith.maximumf %add3A_128, %max3A_130 : vector<512x256xf32>
    %convert_element_type3A_132 = arith.truncf %max3A_131 : vector<512x256xf32> to vector<512x256xbf16>
    %swap3A_133 = arith.constant 6 : index
    %swap3A_134 = arith.constant 0 : index
    %swap3A_135 = arith.constant 0 : index
    %swap3A_136 = vector.load %arg6[%swap3A_133, %swap3A_134, %swap3A_135] : memref<16x512x256xbf16, #tpu.memory_space<vmem>>, vector<1x512x256xbf16>
    %swap3A_137 = vector.shape_cast %swap3A_136 : vector<1x512x256xbf16> to vector<512x256xbf16>
    %swap3A_138 = vector.shape_cast %convert_element_type3A_132 : vector<512x256xbf16> to vector<1x512x256xbf16>
    tpu.vector_store %arg6[%swap3A_133, %swap3A_134, %swap3A_135], %swap3A_138 {strides = array<i32>} : memref<16x512x256xbf16, #tpu.memory_space<vmem>>, vector<1x512x256xbf16>,
    %slice3A_139 = vector.extract_strided_slice %add3A {offsets = [7, 0, 0], sizes = [1, 256, 256], strides = [1, 1, 1]} : vector<16x256x256xbf16> to vector<1x256x256xbf16>
    %squeeze3A_140 = vector.shape_cast %slice3A_139 : vector<1x256x256xbf16> to vector<256x256xbf16>
    %dot_general3A_141 = arith.constant dense<0.000000e+00> : vector<512x256xf32>
    %dot_general3A_142 = tpu.matmul %convert_element_type3A_4, %squeeze3A_140, %dot_general3A_141 {dimension_numbers = #tpu.dot_dimension_numbers<[1], [0], [0], [1], [0, 0, 1, 1], [], []>, transpose_lhs_hint = false} : vector<512x256xbf16>, vector<256x256xbf16>, vector<512x256xf32> -> vector<512x256xf32>
    %add3A_143 = vector.broadcast %get3A_15 : vector<1x256xf32> to vector<512x256xf32>
    %add3A_144 = arith.addf %dot_general3A_142, %add3A_143 : vector<512x256xf32>
    %max3A_145 = arith.constant 0.000000e+00 : f32
    %max3A_146 = vector.broadcast %max3A_145 : f32 to vector<512x256xf32>
    %max3A_147 = arith.maximumf %add3A_144, %max3A_146 : vector<512x256xf32>
    %convert_element_type3A_148 = arith.truncf %max3A_147 : vector<512x256xf32> to vector<512x256xbf16>
    %swap3A_149 = arith.constant 7 : index
    %swap3A_150 = arith.constant 0 : index
    %swap3A_151 = arith.constant 0 : index
    %swap3A_152 = vector.load %arg6[%swap3A_149, %swap3A_150, %swap3A_151] : memref<16x512x256xbf16, #tpu.memory_space<vmem>>, vector<1x512x256xbf16>
    %swap3A_153 = vector.shape_cast %swap3A_152 : vector<1x512x256xbf16> to vector<512x256xbf16>
    %swap3A_154 = vector.shape_cast %convert_element_type3A_148 : vector<512x256xbf16> to vector<1x512x256xbf16>
    tpu.vector_store %arg6[%swap3A_149, %swap3A_150, %swap3A_151], %swap3A_154 {strides = array<i32>} : memref<16x512x256xbf16, #tpu.memory_space<vmem>>, vector<1x512x256xbf16>,
    %slice3A_155 = vector.extract_strided_slice %add3A {offsets = [8, 0, 0], sizes = [1, 256, 256], strides = [1, 1, 1]} : vector<16x256x256xbf16> to vector<1x256x256xbf16>
    %squeeze3A_156 = vector.shape_cast %slice3A_155 : vector<1x256x256xbf16> to vector<256x256xbf16>
    %dot_general3A_157 = arith.constant dense<0.000000e+00> : vector<512x256xf32>
    %dot_general3A_158 = tpu.matmul %convert_element_type3A_4, %squeeze3A_156, %dot_general3A_157 {dimension_numbers = #tpu.dot_dimension_numbers<[1], [0], [0], [1], [0, 0, 1, 1], [], []>, transpose_lhs_hint = false} : vector<512x256xbf16>, vector<256x256xbf16>, vector<512x256xf32> -> vector<512x256xf32>
    %add3A_159 = vector.broadcast %get3A_15 : vector<1x256xf32> to vector<512x256xf32>
    %add3A_160 = arith.addf %dot_general3A_158, %add3A_159 : vector<512x256xf32>
    %max3A_161 = arith.constant 0.000000e+00 : f32
    %max3A_162 = vector.broadcast %max3A_161 : f32 to vector<512x256xf32>
    %max3A_163 = arith.maximumf %add3A_160, %max3A_162 : vector<512x256xf32>
    %convert_element_type3A_164 = arith.truncf %max3A_163 : vector<512x256xf32> to vector<512x256xbf16>
    %swap3A_165 = arith.constant 8 : index
    %swap3A_166 = arith.constant 0 : index
    %swap3A_167 = arith.constant 0 : index
    %swap3A_168 = vector.load %arg6[%swap3A_165, %swap3A_166, %swap3A_167] : memref<16x512x256xbf16, #tpu.memory_space<vmem>>, vector<1x512x256xbf16>
    %swap3A_169 = vector.shape_cast %swap3A_168 : vector<1x512x256xbf16> to vector<512x256xbf16>
    %swap3A_170 = vector.shape_cast %convert_element_type3A_164 : vector<512x256xbf16> to vector<1x512x256xbf16>
    tpu.vector_store %arg6[%swap3A_165, %swap3A_166, %swap3A_167], %swap3A_170 {strides = array<i32>} : memref<16x512x256xbf16, #tpu.memory_space<vmem>>, vector<1x512x256xbf16>,
    %slice3A_171 = vector.extract_strided_slice %add3A {offsets = [9, 0, 0], sizes = [1, 256, 256], strides = [1, 1, 1]} : vector<16x256x256xbf16> to vector<1x256x256xbf16>
    %squeeze3A_172 = vector.shape_cast %slice3A_171 : vector<1x256x256xbf16> to vector<256x256xbf16>
    %dot_general3A_173 = arith.constant dense<0.000000e+00> : vector<512x256xf32>
    %dot_general3A_174 = tpu.matmul %convert_element_type3A_4, %squeeze3A_172, %dot_general3A_173 {dimension_numbers = #tpu.dot_dimension_numbers<[1], [0], [0], [1], [0, 0, 1, 1], [], []>, transpose_lhs_hint = false} : vector<512x256xbf16>, vector<256x256xbf16>, vector<512x256xf32> -> vector<512x256xf32>
    %add3A_175 = vector.broadcast %get3A_15 : vector<1x256xf32> to vector<512x256xf32>
    %add3A_176 = arith.addf %dot_general3A_174, %add3A_175 : vector<512x256xf32>
    %max3A_177 = arith.constant 0.000000e+00 : f32
    %max3A_178 = vector.broadcast %max3A_177 : f32 to vector<512x256xf32>
    %max3A_179 = arith.maximumf %add3A_176, %max3A_178 : vector<512x256xf32>
    %convert_element_type3A_180 = arith.truncf %max3A_179 : vector<512x256xf32> to vector<512x256xbf16>
    %swap3A_181 = arith.constant 9 : index
    %swap3A_182 = arith.constant 0 : index
    %swap3A_183 = arith.constant 0 : index
    %swap3A_184 = vector.load %arg6[%swap3A_181, %swap3A_182, %swap3A_183] : memref<16x512x256xbf16, #tpu.memory_space<vmem>>, vector<1x512x256xbf16>
    %swap3A_185 = vector.shape_cast %swap3A_184 : vector<1x512x256xbf16> to vector<512x256xbf16>
    %swap3A_186 = vector.shape_cast %convert_element_type3A_180 : vector<512x256xbf16> to vector<1x512x256xbf16>
    tpu.vector_store %arg6[%swap3A_181, %swap3A_182, %swap3A_183], %swap3A_186 {strides = array<i32>} : memref<16x512x256xbf16, #tpu.memory_space<vmem>>, vector<1x512x256xbf16>,
    %slice3A_187 = vector.extract_strided_slice %add3A {offsets = [10, 0, 0], sizes = [1, 256, 256], strides = [1, 1, 1]} : vector<16x256x256xbf16> to vector<1x256x256xbf16>
    %squeeze3A_188 = vector.shape_cast %slice3A_187 : vector<1x256x256xbf16> to vector<256x256xbf16>
    %dot_general3A_189 = arith.constant dense<0.000000e+00> : vector<512x256xf32>
    %dot_general3A_190 = tpu.matmul %convert_element_type3A_4, %squeeze3A_188, %dot_general3A_189 {dimension_numbers = #tpu.dot_dimension_numbers<[1], [0], [0], [1], [0, 0, 1, 1], [], []>, transpose_lhs_hint = false} : vector<512x256xbf16>, vector<256x256xbf16>, vector<512x256xf32> -> vector<512x256xf32>
    %add3A_191 = vector.broadcast %get3A_15 : vector<1x256xf32> to vector<512x256xf32>
    %add3A_192 = arith.addf %dot_general3A_190, %add3A_191 : vector<512x256xf32>
    %max3A_193 = arith.constant 0.000000e+00 : f32
    %max3A_194 = vector.broadcast %max3A_193 : f32 to vector<512x256xf32>
    %max3A_195 = arith.maximumf %add3A_192, %max3A_194 : vector<512x256xf32>
    %convert_element_type3A_196 = arith.truncf %max3A_195 : vector<512x256xf32> to vector<512x256xbf16>
    %swap3A_197 = arith.constant 10 : index
    %swap3A_198 = arith.constant 0 : index
    %swap3A_199 = arith.constant 0 : index
    %swap3A_200 = vector.load %arg6[%swap3A_197, %swap3A_198, %swap3A_199] : memref<16x512x256xbf16, #tpu.memory_space<vmem>>, vector<1x512x256xbf16>
    %swap3A_201 = vector.shape_cast %swap3A_200 : vector<1x512x256xbf16> to vector<512x256xbf16>
    %swap3A_202 = vector.shape_cast %convert_element_type3A_196 : vector<512x256xbf16> to vector<1x512x256xbf16>
    tpu.vector_store %arg6[%swap3A_197, %swap3A_198, %swap3A_199], %swap3A_202 {strides = array<i32>} : memref<16x512x256xbf16, #tpu.memory_space<vmem>>, vector<1x512x256xbf16>,
    %slice3A_203 = vector.extract_strided_slice %add3A {offsets = [11, 0, 0], sizes = [1, 256, 256], strides = [1, 1, 1]} : vector<16x256x256xbf16> to vector<1x256x256xbf16>
    %squeeze3A_204 = vector.shape_cast %slice3A_203 : vector<1x256x256xbf16> to vector<256x256xbf16>
    %dot_general3A_205 = arith.constant dense<0.000000e+00> : vector<512x256xf32>
    %dot_general3A_206 = tpu.matmul %convert_element_type3A_4, %squeeze3A_204, %dot_general3A_205 {dimension_numbers = #tpu.dot_dimension_numbers<[1], [0], [0], [1], [0, 0, 1, 1], [], []>, transpose_lhs_hint = false} : vector<512x256xbf16>, vector<256x256xbf16>, vector<512x256xf32> -> vector<512x256xf32>
    %add3A_207 = vector.broadcast %get3A_15 : vector<1x256xf32> to vector<512x256xf32>
    %add3A_208 = arith.addf %dot_general3A_206, %add3A_207 : vector<512x256xf32>
    %max3A_209 = arith.constant 0.000000e+00 : f32
    %max3A_210 = vector.broadcast %max3A_209 : f32 to vector<512x256xf32>
    %max3A_211 = arith.maximumf %add3A_208, %max3A_210 : vector<512x256xf32>
    %convert_element_type3A_212 = arith.truncf %max3A_211 : vector<512x256xf32> to vector<512x256xbf16>
    %swap3A_213 = arith.constant 11 : index
    %swap3A_214 = arith.constant 0 : index
    %swap3A_215 = arith.constant 0 : index
    %swap3A_216 = vector.load %arg6[%swap3A_213, %swap3A_214, %swap3A_215] : memref<16x512x256xbf16, #tpu.memory_space<vmem>>, vector<1x512x256xbf16>
    %swap3A_217 = vector.shape_cast %swap3A_216 : vector<1x512x256xbf16> to vector<512x256xbf16>
    %swap3A_218 = vector.shape_cast %convert_element_type3A_212 : vector<512x256xbf16> to vector<1x512x256xbf16>
    tpu.vector_store %arg6[%swap3A_213, %swap3A_214, %swap3A_215], %swap3A_218 {strides = array<i32>} : memref<16x512x256xbf16, #tpu.memory_space<vmem>>, vector<1x512x256xbf16>,
    %slice3A_219 = vector.extract_strided_slice %add3A {offsets = [12, 0, 0], sizes = [1, 256, 256], strides = [1, 1, 1]} : vector<16x256x256xbf16> to vector<1x256x256xbf16>
    %squeeze3A_220 = vector.shape_cast %slice3A_219 : vector<1x256x256xbf16> to vector<256x256xbf16>
    %dot_general3A_221 = arith.constant dense<0.000000e+00> : vector<512x256xf32>
    %dot_general3A_222 = tpu.matmul %convert_element_type3A_4, %squeeze3A_220, %dot_general3A_221 {dimension_numbers = #tpu.dot_dimension_numbers<[1], [0], [0], [1], [0, 0, 1, 1], [], []>, transpose_lhs_hint = false} : vector<512x256xbf16>, vector<256x256xbf16>, vector<512x256xf32> -> vector<512x256xf32>
    %add3A_223 = vector.broadcast %get3A_15 : vector<1x256xf32> to vector<512x256xf32>
    %add3A_224 = arith.addf %dot_general3A_222, %add3A_223 : vector<512x256xf32>
    %max3A_225 = arith.constant 0.000000e+00 : f32
    %max3A_226 = vector.broadcast %max3A_225 : f32 to vector<512x256xf32>
    %max3A_227 = arith.maximumf %add3A_224, %max3A_226 : vector<512x256xf32>
    %convert_element_type3A_228 = arith.truncf %max3A_227 : vector<512x256xf32> to vector<512x256xbf16>
    %swap3A_229 = arith.constant 12 : index
    %swap3A_230 = arith.constant 0 : index
    %swap3A_231 = arith.constant 0 : index
    %swap3A_232 = vector.load %arg6[%swap3A_229, %swap3A_230, %swap3A_231] : memref<16x512x256xbf16, #tpu.memory_space<vmem>>, vector<1x512x256xbf16>
    %swap3A_233 = vector.shape_cast %swap3A_232 : vector<1x512x256xbf16> to vector<512x256xbf16>
    %swap3A_234 = vector.shape_cast %convert_element_type3A_228 : vector<512x256xbf16> to vector<1x512x256xbf16>
    tpu.vector_store %arg6[%swap3A_229, %swap3A_230, %swap3A_231], %swap3A_234 {strides = array<i32>} : memref<16x512x256xbf16, #tpu.memory_space<vmem>>, vector<1x512x256xbf16>,
    %slice3A_235 = vector.extract_strided_slice %add3A {offsets = [13, 0, 0], sizes = [1, 256, 256], strides = [1, 1, 1]} : vector<16x256x256xbf16> to vector<1x256x256xbf16>
    %squeeze3A_236 = vector.shape_cast %slice3A_235 : vector<1x256x256xbf16> to vector<256x256xbf16>
    %dot_general3A_237 = arith.constant dense<0.000000e+00> : vector<512x256xf32>
    %dot_general3A_238 = tpu.matmul %convert_element_type3A_4, %squeeze3A_236, %dot_general3A_237 {dimension_numbers = #tpu.dot_dimension_numbers<[1], [0], [0], [1], [0, 0, 1, 1], [], []>, transpose_lhs_hint = false} : vector<512x256xbf16>, vector<256x256xbf16>, vector<512x256xf32> -> vector<512x256xf32>
    %add3A_239 = vector.broadcast %get3A_15 : vector<1x256xf32> to vector<512x256xf32>
    %add3A_240 = arith.addf %dot_general3A_238, %add3A_239 : vector<512x256xf32>
    %max3A_241 = arith.constant 0.000000e+00 : f32
    %max3A_242 = vector.broadcast %max3A_241 : f32 to vector<512x256xf32>
    %max3A_243 = arith.maximumf %add3A_240, %max3A_242 : vector<512x256xf32>
    %convert_element_type3A_244 = arith.truncf %max3A_243 : vector<512x256xf32> to vector<512x256xbf16>
    %swap3A_245 = arith.constant 13 : index
    %swap3A_246 = arith.constant 0 : index
    %swap3A_247 = arith.constant 0 : index
    %swap3A_248 = vector.load %arg6[%swap3A_245, %swap3A_246, %swap3A_247] : memref<16x512x256xbf16, #tpu.memory_space<vmem>>, vector<1x512x256xbf16>
    %swap3A_249 = vector.shape_cast %swap3A_248 : vector<1x512x256xbf16> to vector<512x256xbf16>
    %swap3A_250 = vector.shape_cast %convert_element_type3A_244 : vector<512x256xbf16> to vector<1x512x256xbf16>
    tpu.vector_store %arg6[%swap3A_245, %swap3A_246, %swap3A_247], %swap3A_250 {strides = array<i32>} : memref<16x512x256xbf16, #tpu.memory_space<vmem>>, vector<1x512x256xbf16>,
    %slice3A_251 = vector.extract_strided_slice %add3A {offsets = [14, 0, 0], sizes = [1, 256, 256], strides = [1, 1, 1]} : vector<16x256x256xbf16> to vector<1x256x256xbf16>
    %squeeze3A_252 = vector.shape_cast %slice3A_251 : vector<1x256x256xbf16> to vector<256x256xbf16>
    %dot_general3A_253 = arith.constant dense<0.000000e+00> : vector<512x256xf32>
    %dot_general3A_254 = tpu.matmul %convert_element_type3A_4, %squeeze3A_252, %dot_general3A_253 {dimension_numbers = #tpu.dot_dimension_numbers<[1], [0], [0], [1], [0, 0, 1, 1], [], []>, transpose_lhs_hint = false} : vector<512x256xbf16>, vector<256x256xbf16>, vector<512x256xf32> -> vector<512x256xf32>
    %add3A_255 = vector.broadcast %get3A_15 : vector<1x256xf32> to vector<512x256xf32>
    %add3A_256 = arith.addf %dot_general3A_254, %add3A_255 : vector<512x256xf32>
    %max3A_257 = arith.constant 0.000000e+00 : f32
    %max3A_258 = vector.broadcast %max3A_257 : f32 to vector<512x256xf32>
    %max3A_259 = arith.maximumf %add3A_256, %max3A_258 : vector<512x256xf32>
    %convert_element_type3A_260 = arith.truncf %max3A_259 : vector<512x256xf32> to vector<512x256xbf16>
    %swap3A_261 = arith.constant 14 : index
    %swap3A_262 = arith.constant 0 : index
    %swap3A_263 = arith.constant 0 : index
    %swap3A_264 = vector.load %arg6[%swap3A_261, %swap3A_262, %swap3A_263] : memref<16x512x256xbf16, #tpu.memory_space<vmem>>, vector<1x512x256xbf16>
    %swap3A_265 = vector.shape_cast %swap3A_264 : vector<1x512x256xbf16> to vector<512x256xbf16>
    %swap3A_266 = vector.shape_cast %convert_element_type3A_260 : vector<512x256xbf16> to vector<1x512x256xbf16>
    tpu.vector_store %arg6[%swap3A_261, %swap3A_262, %swap3A_263], %swap3A_266 {strides = array<i32>} : memref<16x512x256xbf16, #tpu.memory_space<vmem>>, vector<1x512x256xbf16>,
    %slice3A_267 = vector.extract_strided_slice %add3A {offsets = [15, 0, 0], sizes = [1, 256, 256], strides = [1, 1, 1]} : vector<16x256x256xbf16> to vector<1x256x256xbf16>
    %squeeze3A_268 = vector.shape_cast %slice3A_267 : vector<1x256x256xbf16> to vector<256x256xbf16>
    %dot_general3A_269 = arith.constant dense<0.000000e+00> : vector<512x256xf32>
    %dot_general3A_270 = tpu.matmul %convert_element_type3A_4, %squeeze3A_268, %dot_general3A_269 {dimension_numbers = #tpu.dot_dimension_numbers<[1], [0], [0], [1], [0, 0, 1, 1], [], []>, transpose_lhs_hint = false} : vector<512x256xbf16>, vector<256x256xbf16>, vector<512x256xf32> -> vector<512x256xf32>
    %add3A_271 = vector.broadcast %get3A_15 : vector<1x256xf32> to vector<512x256xf32>
    %add3A_272 = arith.addf %dot_general3A_270, %add3A_271 : vector<512x256xf32>
    %max3A_273 = arith.constant 0.000000e+00 : f32
    %max3A_274 = vector.broadcast %max3A_273 : f32 to vector<512x256xf32>
    %max3A_275 = arith.maximumf %add3A_272, %max3A_274 : vector<512x256xf32>
    %convert_element_type3A_276 = arith.truncf %max3A_275 : vector<512x256xf32> to vector<512x256xbf16>
    %swap3A_277 = arith.constant 15 : index
    %swap3A_278 = arith.constant 0 : index
    %swap3A_279 = arith.constant 0 : index
    %swap3A_280 = vector.load %arg6[%swap3A_277, %swap3A_278, %swap3A_279] : memref<16x512x256xbf16, #tpu.memory_space<vmem>>, vector<1x512x256xbf16>
    %swap3A_281 = vector.shape_cast %swap3A_280 : vector<1x512x256xbf16> to vector<512x256xbf16>
    %swap3A_282 = vector.shape_cast %convert_element_type3A_276 : vector<512x256xbf16> to vector<1x512x256xbf16>
    tpu.vector_store %arg6[%swap3A_277, %swap3A_278, %swap3A_279], %swap3A_282 {strides = array<i32>} : memref<16x512x256xbf16, #tpu.memory_space<vmem>>, vector<1x512x256xbf16>,
    return
  }
  func.func @transform_0(%arg0: i32) -> (i32, i32, i32) {
    %c0_i32 = arith.constant 0 : i32
    %c0_i32_0 = arith.constant 0 : i32
    %c0_i32_1 = arith.constant 0 : i32
    %c0_i32_2 = arith.constant 0 : i32
    return %c0_i32, %c0_i32_0, %c0_i32_1 : i32, i32, i32
  }
  func.func @transform_1(%arg0: i32) -> (i32, i32) {
    %c0_i32 = arith.constant 0 : i32
    %c0_i32_0 = arith.constant 0 : i32
    %c0_i32_1 = arith.constant 0 : i32
    return %c0_i32, %c0_i32_0 : i32, i32
  }
  func.func @transform_2(%arg0: i32) -> (i32, i32) {
    %c0_i32 = arith.constant 0 : i32
    %c0_i32_0 = arith.constant 0 : i32
    %c0_i32_1 = arith.constant 0 : i32
    return %c0_i32, %c0_i32_0 : i32, i32
  }
  func.func @transform_3(%arg0: i32) -> (i32, i32) {
    %c0_i32 = arith.constant 0 : i32
    %c0_i32_0 = arith.constant 0 : i32
    %c0_i32_1 = arith.constant 0 : i32
    return %c0_i32, %c0_i32_0 : i32, i32
  }
  func.func @transform_4(%arg0: i32) -> (i32, i32) {
    %c0_i32 = arith.constant 0 : i32
    %c0_i32_0 = arith.constant 0 : i32
    %c0_i32_1 = arith.constant 0 : i32
    return %c0_i32, %c0_i32_0 : i32, i32
  }
  func.func @transform_5(%arg0: i32) -> (i32, i32, i32) {
    %c0_i32 = arith.constant 0 : i32
    %c0_i32_0 = arith.constant 0 : i32
    %c0_i32_1 = arith.constant 0 : i32
    return %arg0, %c0_i32, %c0_i32_0 : i32, i32, i32
  }
}

</mosaic_0001>

<sc_bundles>
// kernel: kernel.5.cloned.1.call-start
scs
__scs_entry_jumppad:
0x0: {  	(pc) =	sbr.rel $0x88, $3  }
0x1: {  	(tag) =	ssettag $0x0;
	lr =	simm.s32 $0x1  }
0x2: {  	[smem:$0x3F96] =	sst lr;
	_ =	strace $0xD0000000  }
0x3: {  	_ = 	snop  }
0x4: {  	_ = 	snop  }
0x5: {  	_ = 	snop  }
0x6: {  	_ = 	snop  }
0x7: {  	_ = 	snop  }
__scs_overlays_trampoline_lowered:
0x8: {  	[smem:$0x3FA5] =	sst s0  }
0x9: {  	[smem:$0x3FA6] =	sst s1  }
0xa: {  	[smem:$0x3FA7] =	sst s2  }
0xb: {  	[smem:$0x3FA8] =	sst s3  }
0xc: {  	[smem:$0x3FA9] =	sst s4  }
0xd: {  	[smem:$0x3FAA] =	sst s5  }
0xe: {  	[smem:$0x3FAB] =	sst s6  }
0xf: {  	[smem:$0x3FAC] =	sst s7  }
0x10: {  	[smem:$0x3FAD] =	sst s8  }
0x11: {  	[smem:$0x3FAE] =	sst s9;
	s0 =	simm.s32 @!p0 $0x0  }
0x12: {  	s1 =	sld [smem:$0x3F94];
	s0 =	simm.s32 @p0 $0x1  }
0x13: {  	[smem:$0x3FAF] =	sst s0;
	s0 =	simm.s32 @!p1 $0x0  }
0x14: {  	s2 =	sld [smem:$0x3F93];
	s0 =	simm.s32 @p1 $0x1  }
0x15: {  	[smem:$0x3FB0] =	sst s0;
	s0 =	simm.s32 @!p2 $0x0  }
0x16: {  	s3 =	sld [smem:$0x3FDB];
	s0 =	simm.s32 @p2 $0x1  }
0x17: {  	s4 =	simm.s32 $0x1BF5;
	[smem:$0x3FB2] =	sst s0  }
0x18: {  	s0 =	sld [smem:$0x3F95];
	_ =	swait.ge [sflag:s4], $0x0  }
0x19: {  	s7 =	sld [smem:$0x3F96]  }
0x1a: {  	s8 =	sadd.s32 $0xFFFFE003, lr  }
0x1b: {  	s9 =	sadd.s32 $0xFFFFFEF7, lr;
	s5 =	simm.s32 $0xFFFFFFFF;
	p2 =	slt.u32 s8, $0xFFFFF086  }
0x1c: {  	p1 =	slt.u32 s9, $0xF7A;
	s5 =	simm.s32 @!p2 $0x0  }
0x1d: {  	s5 =	simm.s32 @p1 $0x1;
	p0 =	seq.s32 s7, s2  }
0x1e: {  	s7 =	smul.u32 @!p0 $0xF7A, s2;
	p2 =	seq.s32 @!p0 s5, $0x0  }
0x1f: {  	s9 =	smul.u32 $0xF7A, s1;
	s8 =	simm.s32 @!p0 $0x1BF5;
	p2 =	por !p2, p0  }
0x20: {  	[sflag:s8] =	ssyncset.s32 @!p0 $0xFFFFF086;
	s6 =	sadd.s32 @!p0 s3, s7;
	s7 =	simm.s32 @!p0 $0x108  }
0x21: {  	s3 =	sadd.s32 s3, s9;
	s6 =	sadd.s32 @!p0 $0x88, s6;
	s7 =	simm.s32 @p2 $0x1082  }
0x22: {  	[simem:s7], [sflag:s8] =	dma.local @!p0 [hbm:s6], $0xF7A  }
0x23: {  	s9 =	sor.u32 $0xD0000000, s2;
	s6 =	simm.s32 $0x108;
	_ =	swait.ge @!p0 [sflag:s8], $0x0  }
0x24: {  	s3 =	sadd.s32 $0x88, s3;
	s6 =	simm.s32 @!p1 $0x1082;
	[sflag:s4] =	ssyncset.s32 $0xFFFFF086  }
0x25: {  	[simem:s6], [sflag:s4] =	dma.local [hbm:s3], $0xF7A  }
0x26: {  	[smem:$0x3F96] =	sst s1;
	(tag) =	ssettag s2;
	_ =	strace s9  }
0x27: {  	s1 =	sld [smem:$0x3FA6]  }
0x28: {  	s2 =	sld [smem:$0x3FA7]  }
0x29: {  	s4 =	sld [smem:$0x3FA9]  }
0x2a: {  	p0 =	seq.s32 s5, $0x0;
	s5 =	sld [smem:$0x3FAA]  }
0x2b: {  	s6 =	sld [smem:$0x3FAB]  }
0x2c: {  	s7 =	sld [smem:$0x3FAC]  }
0x2d: {  	s3 =	simm.s32 $0x108;
	s8 =	sld [smem:$0x3FAD]  }
0x2e: {  	s3 =	simm.s32 @!p0 $0x1082;
	s9 =	sld [smem:$0x3FAE]  }
0x2f: {  	lr =	sadd.s32 s0, s3;
	s0 =	sld [smem:$0x3FA5]  }
0x30: {  	s3 =	sld [smem:$0x3FA8]  }
0x31: {  	[smem:$0x3FB1] =	sst s10  }
0x32: {  	s10 =	sld [smem:$0x3FAF];
	_ =	sdelay $0x3  }
0x33: {  	p0 =	seq.s32 s10, $0x1;
	s10 =	sld [smem:$0x3FB1];
	_ =	sdelay $0x3  }
0x34: {  	[smem:$0x3FB1] =	sst s10  }
0x35: {  	s10 =	sld [smem:$0x3FB0];
	_ =	sdelay $0x3  }
0x36: {  	p1 =	seq.s32 s10, $0x1;
	s10 =	sld [smem:$0x3FB1];
	_ =	sdelay $0x3  }
0x37: {  	[smem:$0x3FB1] =	sst s10  }
0x38: {  	s10 =	sld [smem:$0x3FB2]  }
0x39: {  	_ = 	snop;
	(pc) =	sbr.ind lr, $3  }
0x3a: {  	_ = 	snop  }
0x3b: {  	_ = 	snop  }
0x3c: {  	p2 =	seq.s32 s10, $0x1;
	s10 =	sld [smem:$0x3FB1]  }
0x3d: {  	_ =	shalt  }
0x3e: {  	_ =	shalt  }
0x3f: {  	_ =	shalt  }
0x40: {  	_ =	shalt  }
0x41: {  	_ =	shalt  }
0x42: {  	_ =	shalt  }
0x43: {  	_ =	shalt  }
0x44: {  	_ =	shalt  }
0x45: {  	_ =	shalt  }
0x46: {  	_ =	shalt  }
0x47: {  	_ =	shalt  }
0x48: {  	_ =	shalt  }
0x49: {  	_ =	shalt  }
0x4a: {  	_ =	shalt  }
0x4b: {  	_ =	shalt  }
0x4c: {  	_ =	shalt  }
0x4d: {  	_ =	shalt  }
0x4e: {  	_ =	shalt  }
0x4f: {  	_ =	shalt  }
0x50: {  	_ =	shalt  }
0x51: {  	_ =	shalt  }
0x52: {  	_ =	shalt  }
0x53: {  	_ =	shalt  }
0x54: {  	_ =	shalt  }
0x55: {  	_ =	shalt  }
0x56: {  	_ =	shalt  }
0x57: {  	_ =	shalt  }
0x58: {  	_ =	shalt  }
0x59: {  	_ =	shalt  }
0x5a: {  	_ =	shalt  }
0x5b: {  	_ =	shalt  }
0x5c: {  	_ =	shalt  }
0x5d: {  	_ =	shalt  }
0x5e: {  	_ =	shalt  }
0x5f: {  	_ =	shalt  }
0x60: {  	_ =	shalt  }
0x61: {  	_ =	shalt  }
0x62: {  	_ =	shalt  }
0x63: {  	_ =	shalt  }
0x64: {  	_ =	shalt  }
0x65: {  	_ =	shalt  }
0x66: {  	_ =	shalt  }
0x67: {  	_ =	shalt  }
0x68: {  	_ =	shalt  }
0x69: {  	_ =	shalt  }
0x6a: {  	_ =	shalt  }
0x6b: {  	_ =	shalt  }
0x6c: {  	_ =	shalt  }
0x6d: {  	_ =	shalt  }
0x6e: {  	_ =	shalt  }
0x6f: {  	_ =	shalt  }
0x70: {  	_ =	shalt  }
0x71: {  	_ =	shalt  }
0x72: {  	_ =	shalt  }
0x73: {  	_ =	shalt  }
0x74: {  	_ =	shalt  }
0x75: {  	_ =	shalt  }
0x76: {  	_ =	shalt  }
0x77: {  	_ =	shalt  }
0x78: {  	_ =	shalt  }
0x79: {  	_ =	shalt  }
0x7a: {  	_ =	shalt  }
0x7b: {  	_ =	shalt  }
0x7c: {  	_ =	shalt  }
0x7d: {  	_ =	shalt  }
0x7e: {  	_ =	shalt  }
0x7f: {  	_ =	shalt  }
0x80: {  	_ =	shalt  }
0x81: {  	_ =	shalt  }
0x82: {  	_ =	shalt  }
0x83: {  	_ =	shalt  }
0x84: {  	_ =	shalt  }
0x85: {  	_ =	shalt  }
0x86: {  	_ =	shalt  }
0x87: {  	_ =	shalt  }
.Lfunc_end0:
.L_simem_size_0:
called_computation_lowered:
.L_overlay_start_0:
0x88: {  	s0 =	sld [smem:$0x3FD9]  }
0x89: {  	s1 =	sld [smem:$0x3FFE];
	_ =	sdelay $0x3  }
0x8a: {  	s0 =	sadd.s32 s1, s0  }
0x8b: {  	[smem:$0x3FBD] =	sst s0  }
0x8c: {  	_ = 	snop  }
0x8d: {  	(tm) =	ssettm $0x1  }
0x8e: {  	s15 =	sld [smem:$0x3FFB];
	_ =	sdelay $0x3  }
0x8f: {  	_ =	strace s15  }
0x90: {  	s0 =	sld [smem:$0x3FFC];
	_ =	sdelay $0x3  }
0x91: {  	_ =	strace s0  }
0x92: {  	s0 =	sld [smem:$0x3FFD];
	_ =	sdelay $0x3  }
0x93: {  	_ =	strace s0  }
0x94: {  	_ =	strace $0x8FFFFFFF  }
0x95: {  	s16 =	sld [smem:$0x3FDB];
	_ =	sdelay $0x1  }
0x96: {  	s17 =	simm.s32 $_scs_section_size  }
0x97: {  	s2 =	simm.s32 $_size__tile_overlayer_lowered;
	s3 =	simm.s32 $_tile_overlayer_lowered  }
0x98: {  	s20 =	simm.s32 $0x1BFF;
	s19 =	sshll.u32 s3, $0x1;
	s0 =	sadd.s32 s17, s16  }
0x99: {  	s4 =	simm.s32 $0x0;
	s18 =	sshll.u32 s2, $0x1;
	s2 =	sadd.s32 s19, s0  }
0x9a: {  	[timem:s4], [sflag:s20] =	dma.local [hbm:s2], s18  }
0x9b: {  	_ =	swait.ge [sflag:s20], s18  }
0x9c: {  	s1 =	ssub.s32 $0x0, s18;
	[sflag:s20] =	ssyncset.done $0x0  }
0x9d: {  	[sflag:s20] =	ssyncadd.s32 s1;
	_ =	sdelay $0x1  }
0x9e: {  	s21 =	simm.s32 $0x1B8B  }
0x9f: {  	_ =	swait.ge [sflag:s21], $0x1  }
0xa0: {  	[sflag:s21] =	ssyncset.done $0x0  }
0xa1: {  	s23 =	simm.s32 $0x1B8E;
	s22 =	sld [smem:$0x3FFE];
	[sflag:s21] =	ssyncadd.s32 $0xFFFFFFFF  }
0xa2: {  	s24 =	simm.s32 $execute0_lowered;
	[smem:$0x3FD2] =	sst s23  }
0xa3: {  	s2 =	sshll.u32 s24, $0x1;
	_ =	strace $0x80000046;
	[dreg:$0x1] =	wrdreg $0xFFFFFFFF  }
0xa4: {  	s25 =	simm.s32 $_size_execute0_lowered;
	s0 =	sadd.s32 s0, s2;
	[dreg:$0x0] =	wrdreg $0x0  }
0xa5: {  	s2 =	sshll.u32 s25, $0x1;
	[dreg:$0x2] =	wrdreg s0  }
0xa6: {  	[dreg:$0x3] =	wrdreg s2  }
0xa7: {  	[dreg:$0x4] =	wrdreg $0xC0  }
0xa8: {  	_ =	task [dreg:s4], $0x5FFFF  }
0xa9: {  	[dreg:$0x1] =	wrdreg $0xFFFFFFFF  }
0xaa: {  	[dreg:$0x0] =	wrdreg $0x60  }
0xab: {  	[dreg:$0x2] =	wrdreg s22  }
0xac: {  	[dreg:$0x3] =	wrdreg $0x4000  }
0xad: {  	[dreg:$0x4] =	wrdreg $0x9  }
0xae: {  	_ =	task.clear_ibuf [dreg:s4], $0x5FFFF;
	_ =	strace $0x90000046  }
0xaf: {  	s26 =	simm.s32 $0x9;
	_ =	strace $0x80000048  }
0xb0: {  	_ =	swait.ge [sflag:s26], $0x1  }
0xb1: {  	[sflag:s26] =	ssyncadd.s32 $0xFFFFFFFF  }
0xb2: {  	_ =	strace $0x90000048  }
0xb3: {  	_ =	sfence  }
0xb4: {  	s28 =	sld [smem:$0x0];
	_ =	sdelay $0x1  }
0xb5: {  	s29 =	srdreg.scid  }
0xb6: {  	s30 =	sshll.u32 s29, $0xD;
	s31 =	sshrl.u32 s29, $0x2  }
0xb7: {  	s1 =	sand.u32 $0x1, s29;
	s2 =	sand.u32 $0x4000, s30;
	s0 =	sadd.s32 s31, s28  }
0xb8: {  	s1 =	sor.u32 s2, s1;
	s0 =	sshll.u32 s0, $0x11  }
0xb9: {  	s0 =	sor.u32 s0, s1  }
0xba: {  	s0 =	sadd.s32 $0x8F2B, s0  }
0xbb: {  	[sflag:s0] =	ssyncadd.remote.s32 $0x1  }
0xbc: {  	_ =	sfence.sel $0xFFFF  }
0xbd: {  	[dreg:$0x0] =	wrdreg $0xFFFFFFFF;
	(pc) =	sbr.abs _section_cstart, $3  }
0xbe: {  	[dreg:$0x1] =	wrdreg $0xFFFFFFFF  }
0xbf: {  	_ =	task.clear_ibuf [dreg:s4], $0x2FFFF;
	_ =	strace $0x9FFFFFFF  }
0xc0: {  	(tm) =	ssettm $0x7FFFFFFF  }
0xc1: {  	_ =	shalt  }
tec
execute0_lowered:
.L_overlay_start_1:
0x0: {  	(tag) =	ssettag $0x1  }
0x1: {  	s3 =	rddreg [dreg:$0x0]  }
0x2: {  	s2 =	rddreg [dreg:$0x1]  }
0x3: {  	s0 =	rddreg [dreg:$0x2];
	s8 =	simm.s32 $0x0  }
0x4: {  	s1 =	stileid.u32;
	[smem:$0x7FF] =	sst s8  }
0x5: {  	s4 =	sshll.u32 s1, $0x5;
	s5 =	sshll.u32 s1, $0x9;
	s21 =	sshll.u32 s1, $0xC  }
0x6: {  	s23 =	sshll.u32 s1, $0x6;
	_ =	strace $0x80000047;
	s7 =	sadd.s32 s4, s3  }
0x7: {  	s3 =	sadd.s32 s5, s3;
	s22 =	sadd.s32 s21, s2;
	s9 =	sor.u32 $0x1C01, s23  }
0x8: {  	s6 =	sadd.s32 $0x1200, s3;
	s10 =	sadd.s32 $0xE00, s7;
	s5 =	sshrl.u32 s22, $0x3  }
0x9: {  	[spmem:s5], [sflag:s9] =	dma.local [hbm:s6], $0x200  }
0xa: {  	[tilespmem:s8], [sflag:$0x1] =	stream.linear.gather [hbm4b:s10+s8], $0x100, $0x38;
	[tilespmem:$0x1400] =	vst v63  }
0xb: {  	s25 =	simm.s32 $0x100;
	s24 =	sadd.s32 $0x1000, s7  }
0xc: {  	[tilespmem:s25], [sflag:$0x1] =	stream.linear.gather [hbm4b:s24+s8], $0x100, $0x38;
	[tilespmem:$0x1400] =	vst v63  }
0xd: {  	s28 =	simm.s32 $0x300;
	s29 =	simm.s32 $0x1;
	s26 =	sadd.s32 $0x3200, s7  }
0xe: {  	[tilespmem:s28], [sflag:$0x1] =	stream.linear.gather [hbm4b:s26+s8], $0x100, $0x38;
	[tilespmem:$0x1400] =	vst v63  }
0xf: {  	_ =	swait.ge [sflag:s29], $0x200  }
0x10: {  	[sflag:s29] =	ssyncset.done $0x0  }
0x11: {  	[sflag:s29] =	ssyncadd.s32 $0xFFFFFE00  }
0x12: {  	_ =	swait.ge [sflag:s29], $0x100  }
0x13: {  	[sflag:s29] =	ssyncset.done $0x0  }
0x14: {  	[sflag:s29] =	ssyncadd.s32 $0xFFFFFF00  }
0x15: {  	_ =	swait.ge [sflag:s29], $0x100  }
0x16: {  	[sflag:s29] =	ssyncset.done $0x0  }
0x17: {  	[sflag:s29] =	ssyncadd.s32 $0xFFFFFF00  }
0x18: {  	_ =	swait.ge [sflag:s29], $0x100  }
0x19: {  	[sflag:s29] =	ssyncset.done $0x0  }
0x1a: {  	[sflag:s29] =	ssyncadd.s32 $0xFFFFFF00  }
0x1b: {  	v0 =	vld [tilespmem:$0x0]  }
0x1c: {  	v1 =	vld [tilespmem:$0x100]  }
0x1d: {  	v2 =	vld [tilespmem:$0x10]  }
0x1e: {  	v3 =	vld [tilespmem:$0x110]  }
0x1f: {  	v4 =	vld [tilespmem:$0x20]  }
0x20: {  	v5 =	vld [tilespmem:$0x120]  }
0x21: {  	v6 =	vld [tilespmem:$0x30]  }
0x22: {  	v7 =	vld [tilespmem:$0x130]  }
0x23: {  	v8 =	vld [tilespmem:$0x40]  }
0x24: {  	v9 =	vld [tilespmem:$0x140]  }
0x25: {  	v10 =	vld [tilespmem:$0x50]  }
0x26: {  	v11 =	vld [tilespmem:$0x150]  }
0x27: {  	v12 =	vld [tilespmem:$0x60]  }
0x28: {  	v13 =	vld [tilespmem:$0x160]  }
0x29: {  	v14 =	vld [tilespmem:$0x70]  }
0x2a: {  	v15 =	vld [tilespmem:$0x170]  }
0x2b: {  	v16 =	vld [tilespmem:$0x80]  }
0x2c: {  	v17 =	vld [tilespmem:$0x180]  }
0x2d: {  	v18 =	vld [tilespmem:$0x90]  }
0x2e: {  	v19 =	vld [tilespmem:$0x190]  }
0x2f: {  	v20 =	vld [tilespmem:$0xA0];
	v0 =	vshll.u32 v0, $0x8  }
0x30: {  	v24 =	vld [tilespmem:$0x1A0];
	v23 =	vshll.u32 v2, $0x8;
	v0 =	vadd.s32 v1, v0  }
0x31: {  	v27 =	vld [tilespmem:$0xB0];
	v26 =	vshll.u32 v4, $0x8;
	v25 =	vadd.s32 v3, v23;
	[tilespmem:$0x200] =	vst v0  }
0x32: {  	v30 =	vld [tilespmem:$0x1B0];
	v29 =	vshll.u32 v6, $0x8;
	v28 =	vadd.s32 v5, v26;
	[tilespmem:$0x210] =	vst v25  }
0x33: {  	v33 =	vld [tilespmem:$0xC0];
	v32 =	vshll.u32 v8, $0x8;
	v31 =	vadd.s32 v7, v29;
	[tilespmem:$0x220] =	vst v28  }
0x34: {  	v36 =	vld [tilespmem:$0x1C0];
	v35 =	vshll.u32 v10, $0x8;
	v34 =	vadd.s32 v9, v32;
	[tilespmem:$0x230] =	vst v31  }
0x35: {  	v39 =	vld [tilespmem:$0xD0];
	v38 =	vshll.u32 v12, $0x8;
	v37 =	vadd.s32 v11, v35;
	[tilespmem:$0x240] =	vst v34  }
0x36: {  	v42 =	vld [tilespmem:$0x1D0];
	v41 =	vshll.u32 v14, $0x8;
	v40 =	vadd.s32 v13, v38;
	[tilespmem:$0x250] =	vst v37  }
0x37: {  	v45 =	vld [tilespmem:$0xE0];
	v44 =	vshll.u32 v16, $0x8;
	v43 =	vadd.s32 v15, v41;
	[tilespmem:$0x260] =	vst v40  }
0x38: {  	v48 =	vld [tilespmem:$0x1E0];
	v47 =	vshll.u32 v18, $0x8;
	v46 =	vadd.s32 v17, v44;
	[tilespmem:$0x270] =	vst v43  }
0x39: {  	v51 =	vld [tilespmem:$0xF0];
	v50 =	vshll.u32 v20, $0x8;
	v49 =	vadd.s32 v19, v47;
	[tilespmem:$0x280] =	vst v46  }
0x3a: {  	v54 =	vld [tilespmem:$0x1F0];
	v53 =	vshll.u32 v27, $0x8;
	v52 =	vadd.s32 v24, v50;
	[tilespmem:$0x290] =	vst v49  }
0x3b: {  	v56 =	vshll.u32 v33, $0x8;
	v55 =	vadd.s32 v30, v53;
	[tilespmem:$0x2A0] =	vst v52  }
0x3c: {  	v58 =	vshll.u32 v39, $0x8;
	v57 =	vadd.s32 v36, v56;
	[tilespmem:$0x2B0] =	vst v55  }
0x3d: {  	v60 =	vshll.u32 v45, $0x8;
	v59 =	vadd.s32 v42, v58;
	[tilespmem:$0x2C0] =	vst v57  }
0x3e: {  	v62 =	vshll.u32 v51, $0x8;
	v61 =	vadd.s32 v48, v60;
	[tilespmem:$0x2D0] =	vst v59  }
0x3f: {  	v63 =	vadd.s32 v54, v62;
	[tilespmem:$0x2E0] =	vst v61  }
0x40: {  	[tilespmem:$0x2F0] =	vst v63  }
0x41: {  	s30 =	simm.s32 $0x200;
	s31 =	simm.s32 $0x2;
	[bflag:$0x0] =	sbarrier.arrive $0xFFFF  }
0x42: {  	[spmem:s2] =	stream.indirect.scatter.add.f32 [tilespmem:s28], [sflag:$0x2], $0x1, s30, s25, $0xb8;
	[tilespmem:$0x1400] =	vst v63  }
0x43: {  	_ =	swait.ge [sflag:s31], $0x100  }
0x44: {  	[sflag:s31] =	ssyncset.done $0x0  }
0x45: {  	[sflag:s31] =	ssyncadd.s32 $0xFFFFFF00  }
0x46: {  	s4 =	sor.u32 $0x1C02, s23;
	s3 =	sadd.s32 $0x3400, s3;
	[bflag:$0x0] =	sbarrier.arrive $0xFFFF  }
0x47: {  	[hbm:s3], [sflag:s4] =	dma.local [spmem:s5], $0x200  }
0x48: {  	_ =	swait.ge [sflag:s31], $0x200  }
0x49: {  	[sflag:s31] =	ssyncset.done $0x0  }
0x4a: {  	[sflag:s31] =	ssyncadd.s32 $0xFFFFFE00  }
0x4b: {  	_ =	sfence.sel $0x180000  }
0x4c: {  	[bflag:$0x0] =	sbarrier.arrive $0xFFFF  }
0x4d: {  	p0 =	sne.s32 s1, $0x0;
	_ =	strace $0x90000047  }
0x4e: {  	s0 =	sadd.s32 @!p0 $0x100000, s0;
	[bflag:$0x2] =	sbarrier.arrive $0xFFFF  }
0x4f: {  	[sflag:s0] =	ssyncadd.tile.s32 @!p0 $0x1;
	_ =	shalt  }
.Lfunc_end2:
_tile_overlayer_lowered:
.L_overlay_start_2:
0x50: {  	(tag) =	ssettag $0x2  }
0x51: {  	s0 =	rddreg [dreg:$0x0];
	s2 =	stileid.u32  }
0x52: {  	s1 =	rddreg [dreg:$0x1];
	p0 =	sne.s32 s2, $0x0  }
0x53: {  	s3 =	rddreg [dreg:$0x2];
	[bflag:$0x3] =	sbarrier.arrive $0xFFFF;
	s2 =	simm.s32 @!p0 $0x1C02  }
0x54: {  	[timem:s3], [sflag:s2] =	dma.local @!p0 [hbm:s0], s1  }
0x55: {  	s0 =	simm.s32 @!p0 $0x2  }
0x56: {  	_ =	swait.ge @!p0 [sflag:s0], s1  }
0x57: {  	s1 =	ssub.s32 @!p0 $0x0, s1;
	[sflag:s0] =	ssyncset.done @!p0 $0x0  }
0x58: {  	[sflag:s0] =	ssyncadd.s32 @!p0 s1  }
0x59: {  	[bflag:$0x3] =	sbarrier.arrive $0xFFFF  }
0x5a: {  	_ =	shalt  }

</sc_bundles>
